<compile_context>
chip_gen: v7x
topology: tpu7x:2x2x1
jax: 0.10.2.dev20260603
libtpu: 0.0.44.dev20260713+nightly
codegen_flags: <defaults>
</compile_context>

<pallas_src>
import jax
import jax.numpy as jnp
from jax import lax
from jax.experimental import pallas as pl
from jax.experimental.pallas import tpu as pltpu
from jax.experimental.pallas import tpu_sc as plsc

_N = 10000
_E = 320000
_D = 128
_C0 = 128
_C1 = 32

_NC = 2
_NS = 16
_NW = _NC * _NS
_B = 128
_NIT = 79
_TE = _B * _NIT
_EP = _TE * _NW
_NP = 10112
_RT = _NP // _NS


def _deg_call(dstp, zeros16, ones16):
  mesh = plsc.VectorSubcoreMesh(core_axis_name="c", subcore_axis_name="s",
                                num_cores=_NC, num_subcores=_NS)

  def body(dst_hbm, zero_hbm, ones_hbm, out_hbm, dstbuf, ones_v, acc, sem):
    cid = lax.axis_index("c")
    sid = lax.axis_index("s")
    wid = sid * _NC + cid
    r0 = sid * _RT
    pltpu.sync_copy(zero_hbm.at[pl.ds(r0, _RT)], acc.at[pl.ds(r0, _RT)])
    pltpu.async_copy(ones_hbm, ones_v, sem).wait()
    plsc.subcore_barrier()

    def step(i, carry):
      base = wid * _TE + i * _B
      pltpu.sync_copy(dst_hbm.at[pl.ds(base, _B)], dstbuf)
      for j in range(_B // 16):
        idx = dstbuf[pl.ds(j * 16, 16)]
        pltpu.sync_copy(ones_v, acc.at[idx], add=True)
      return carry

    lax.fori_loop(0, _NIT, step, 0)
    plsc.subcore_barrier()
    pltpu.sync_copy(acc.at[pl.ds(r0, _RT)], out_hbm.at[cid, pl.ds(r0, _RT)])

  return pl.kernel(
      body,
      out_type=jax.ShapeDtypeStruct((_NC, _NP, _C0), jnp.float32),
      mesh=mesh,
      scratch_types=[
          pltpu.VMEM((_B,), jnp.int32),
          pltpu.VMEM((16, _C0), jnp.float32),
          pltpu.VMEM_SHARED((_NP, _C0), jnp.float32),
          pltpu.SemaphoreType.DMA,
      ],
  )(dstp, zeros16, ones16)


def _prop_call(h, srcp, dstp, zeros, c):
  mesh = plsc.VectorSubcoreMesh(core_axis_name="c", subcore_axis_name="s",
                                num_cores=_NC, num_subcores=_NS)

  def body(h_hbm, src_hbm, dst_hbm, zero_hbm, out_hbm, srcbuf, dstbuf, rows, acc, sem):
    cid = lax.axis_index("c")
    sid = lax.axis_index("s")
    wid = sid * _NC + cid
    r0 = sid * _RT
    pltpu.sync_copy(zero_hbm.at[pl.ds(r0, _RT)], acc.at[pl.ds(r0, _RT)])
    plsc.subcore_barrier()

    def step(i, carry):
      base = wid * _TE + i * _B
      pltpu.sync_copy(src_hbm.at[pl.ds(base, _B)], srcbuf)
      pltpu.sync_copy(dst_hbm.at[pl.ds(base, _B)], dstbuf)
      pltpu.async_copy(h_hbm.at[srcbuf], rows, sem).wait()
      for j in range(_B // 16):
        idx = dstbuf[pl.ds(j * 16, 16)]
        pltpu.sync_copy(rows.at[pl.ds(j * 16, 16)], acc.at[idx], add=True)
      return carry

    lax.fori_loop(0, _NIT, step, 0)
    plsc.subcore_barrier()
    pltpu.sync_copy(acc.at[pl.ds(r0, _RT)], out_hbm.at[cid, pl.ds(r0, _RT)])

  return pl.kernel(
      body,
      out_type=jax.ShapeDtypeStruct((_NC, _NP, c), jnp.float32),
      mesh=mesh,
      scratch_types=[
          pltpu.VMEM((_B,), jnp.int32),
          pltpu.VMEM((_B,), jnp.int32),
          pltpu.VMEM((_B, c), jnp.float32),
          pltpu.VMEM_SHARED((_NP, c), jnp.float32),
          pltpu.SemaphoreType.DMA,
      ],
  )(h, srcp, dstp, zeros)


def _dinv(p_ref):
  deg = p_ref[0, :, 0:1] + p_ref[1, :, 0:1] + 1.0
  return lax.rsqrt(deg)


def _mm0_body(x_ref, w_ref, p_ref, o_ref):
  h = jnp.dot(x_ref[...], w_ref[...], preferred_element_type=jnp.float32)
  o_ref[...] = h * _dinv(p_ref)


def _mid_body(a_ref, h0_ref, w_ref, p_ref, o_ref):
  dinv = _dinv(p_ref)
  z = jnp.maximum((a_ref[0] + a_ref[1] + h0_ref[...]) * dinv, 0.0)
  o_ref[...] = jnp.dot(z, w_ref[...], preferred_element_type=jnp.float32) * dinv


def _fin_body(a_ref, h1_ref, p_ref, o_ref):
  dinv = _dinv(p_ref)
  o_ref[...] = jnp.maximum((a_ref[0, :, :_C1] + a_ref[1, :, :_C1] + h1_ref[:, :_C1]) * dinv, 0.0)


def kernel(x, edge_index, W0, W1):
  src = edge_index[0]
  dst = edge_index[1]
  npad = _NP - _N
  epad = _EP - _E
  padidx = _N + jnp.arange(epad, dtype=jnp.int32) % npad
  srcp = jnp.concatenate([src, padidx])
  dstp = jnp.concatenate([dst, padidx])
  xp = jnp.pad(x, ((0, npad), (0, 0)))

  parts = _deg_call(
      dstp,
      jnp.zeros((_NP, _C0), jnp.float32),
      jnp.ones((16, _C0), jnp.float32),
  )
  h0 = pl.pallas_call(
      _mm0_body,
      out_shape=jax.ShapeDtypeStruct((_NP, _C0), jnp.float32),
  )(xp, W0, parts)
  a = _prop_call(h0, srcp, dstp, jnp.zeros((_NP, _C0), jnp.float32), _C0)
  w1p = jnp.pad(W1, ((0, 0), (0, _C0 - _C1)))
  h1 = pl.pallas_call(
      _mid_body,
      out_shape=jax.ShapeDtypeStruct((_NP, _C0), jnp.float32),
  )(a, h0, w1p, parts)
  a2 = _prop_call(h1, srcp, dstp, jnp.zeros((_NP, _C0), jnp.float32), _C0)
  out = pl.pallas_call(
      _fin_body,
      out_shape=jax.ShapeDtypeStruct((_NP, _C1), jnp.float32),
  )(a2, h1, parts)
  return out[:_N]

# --- scband reference (transcript-rebuilt; emitter-appended) ---
"""Pipeline reference for scband-gcn3-5549097746676 (READ-ONLY COPY).

The authoritative reference and input builder live on the scoring server;
editing this copy changes nothing except your own understanding.
"""

import jax, jax.numpy as jnp
import numpy as np

N = 10000
E = 320000
D = 128
C0 = 128
C1 = 32


def setup_inputs(seed: int = 0) -> dict:
    key = jax.random.key(seed)
    k1, k2, k3, k4 = jax.random.split(key, 4)
    x = jax.random.normal(k1, (N, D), dtype=jnp.float32)
    edge_index = jax.random.randint(k2, (2, E), 0, N, dtype=jnp.int32)
    # GCNConv kernels (glorot-ish scaling), use_bias=False so no bias params
    W0 = jax.random.normal(k3, (D, C0), dtype=jnp.float32) * (1.0 / np.sqrt(D))
    W1 = jax.random.normal(k4, (C0, C1), dtype=jnp.float32) * (1.0 / np.sqrt(C0))
    return {"x": x, "edge_index": edge_index, "W0": W0, "W1": W1}


def _gcn_propagate(h, src, dst, norm):
    # message = normalized gather of transformed features; aggregate by scatter-add
    msg = h[src] * norm[:, None]
    return jax.ops.segment_sum(msg, dst, num_segments=N)


def reference(x, edge_index, W0, W1):
    # Spektral GCNConv on a GCN-normalized adjacency: A_hat = D^-1/2 (A + I) D^-1/2
    src = edge_index[0]
    dst = edge_index[1]
    loop = jnp.arange(N, dtype=src.dtype)
    src = jnp.concatenate([src, loop])
    dst = jnp.concatenate([dst, loop])
    deg = jax.ops.segment_sum(jnp.ones_like(dst, dtype=jnp.float32), dst, num_segments=N)
    dinv = jnp.where(deg > 0, 1.0 / jnp.sqrt(deg), 0.0)
    norm = dinv[src] * dinv[dst]
    # dropout layers are identity in inference mode
    h = x @ W0
    h = jax.nn.relu(_gcn_propagate(h, src, dst, norm))
    h = h @ W1
    out = jax.nn.relu(_gcn_propagate(h, src, dst, norm))
    return out

if __name__ == "__main__":
    import jax
    _d = setup_inputs()
    print(jax.jit(kernel)(*tuple(_d.values())))

</pallas_src>

<mosaic_0001>
#map = affine_map<(d0, d1) -> (0)>
#map1 = affine_map<(d0, d1) -> (0, 0)>
#map2 = affine_map<(d0, d1) -> (0, 0, 0)>
module attributes {stable_mosaic.version = 14 : i64} {
  func.func @body(%arg0: i32, %arg1: i32, %arg2: memref<323584xi32, #tpu.memory_space<hbm>>, %arg3: memref<10112x128xf32, #tpu.memory_space<hbm>>, %arg4: memref<16x128xf32, #tpu.memory_space<hbm>>, %arg5: memref<2x10112x128xf32, #tpu.memory_space<hbm>>, %arg6: memref<128xi32, #tpu.memory_space<vmem>>, %arg7: memref<16x128xf32, #tpu.memory_space<vmem>>, %arg8: memref<10112x128xf32, #tpu.memory_space<vmem_shared>>, %arg9: memref<!tpu.dma_semaphore, #tpu.memory_space<semaphore_mem>>) attributes {dimension_semantics = [#tpu.dimension_semantics<core_parallel>, #tpu.dimension_semantics<subcore_parallel>], iteration_bounds = array<i64: 2, 16>, scalar_prefetch = 0 : i64, scratch_operands = 4 : i64, tpu.core_type = #tpu.core_type<sc_vector_subcore>, window_params = [{transform_indices = #map}, {transform_indices = #map1}, {transform_indices = #map1}, {transform_indices = #map2}]} {
    %mul3A = arith.constant 2 : i32
    %mul3A_0 = arith.muli %arg1, %mul3A : i32
    %add3A = arith.addi %mul3A_0, %arg0 : i32
    %mul3A_1 = arith.constant 632 : i32
    %mul3A_2 = arith.muli %arg1, %mul3A_1 : i32
    "tpu.region"() ({
      %run_scoped3A = tpu.sem_alloc : memref<!tpu.dma_semaphore, #tpu.memory_space<semaphore_mem>>
      %dma_start3A = arith.constant 0 : i32
      %dma_start3A_9 = tpu.memref_slice %arg8[%mul3A_2, %dma_start3A] : memref<10112x128xf32, #tpu.memory_space<vmem_shared>> -> memref<632x128xf32, #tpu.memory_space<vmem_shared>>
      %dma_start3A_10 = arith.constant 0 : i32
      %dma_start3A_11 = tpu.memref_slice %arg3[%mul3A_2, %dma_start3A_10] : memref<10112x128xf32, #tpu.memory_space<hbm>> -> memref<632x128xf32, #tpu.memory_space<hbm>>
      tpu.enqueue_dma source(%dma_start3A_11 : memref<632x128xf32, #tpu.memory_space<hbm>>) target(%dma_start3A_9 : memref<632x128xf32, #tpu.memory_space<vmem_shared>>) target_semaphore(%run_scoped3A : memref<!tpu.dma_semaphore, #tpu.memory_space<semaphore_mem>>)
      %dma_wait3A = arith.constant 0 : i32
      %dma_wait3A_12 = tpu.memref_slice %arg8[%mul3A_2, %dma_wait3A] : memref<10112x128xf32, #tpu.memory_space<vmem_shared>> -> memref<632x128xf32, #tpu.memory_space<vmem_shared>>
      %dma_wait3A_13 = arith.constant 0 : i32
      %dma_wait3A_14 = tpu.memref_slice %arg3[%mul3A_2, %dma_wait3A_13] : memref<10112x128xf32, #tpu.memory_space<hbm>> -> memref<632x128xf32, #tpu.memory_space<hbm>>
      tpu.wait_dma2 semaphore(%run_scoped3A : memref<!tpu.dma_semaphore, #tpu.memory_space<semaphore_mem>>) src(%dma_wait3A_14 : memref<632x128xf32, #tpu.memory_space<hbm>>) dst(%dma_wait3A_12 : memref<632x128xf32, #tpu.memory_space<vmem_shared>>)
      tpu.yield
    }) : () -> ()
    tpu.enqueue_dma source(%arg4 : memref<16x128xf32, #tpu.memory_space<hbm>>) target(%arg7 : memref<16x128xf32, #tpu.memory_space<vmem>>) target_semaphore(%arg9 : memref<!tpu.dma_semaphore, #tpu.memory_space<semaphore_mem>>)
    tpu.wait_dma2 semaphore(%arg9 : memref<!tpu.dma_semaphore, #tpu.memory_space<semaphore_mem>>) src(%arg4 : memref<16x128xf32, #tpu.memory_space<hbm>>) dst(%arg7 : memref<16x128xf32, #tpu.memory_space<vmem>>)
    %barrier3A = arith.constant 0 : index
    tpu.barrier barrier_id(%barrier3A)
    %scan3A = arith.constant 0 : i32
    %scan3A_3 = arith.constant 0 : i32
    %scan3A_4 = arith.constant 79 : i32
    %scan3A_5 = arith.addi %scan3A_3, %scan3A_4 : i32
    %scan3A_6 = arith.constant 1 : i32
    scf.for %scan3A_9 = %scan3A_3 to %scan3A_5 step %scan3A_6  : i32 {
      %mul3A_10 = arith.constant 10112 : i32
      %mul3A_11 = arith.muli %add3A, %mul3A_10 : i32
      %mul3A_12 = arith.constant 128 : i32
      %mul3A_13 = arith.muli %scan3A_9, %mul3A_12 : i32
      %add3A_14 = arith.addi %mul3A_11, %mul3A_13 : i32
      "tpu.region"() ({
        %run_scoped3A = tpu.sem_alloc : memref<!tpu.dma_semaphore, #tpu.memory_space<semaphore_mem>>
        %dma_start3A = tpu.memref_slice %arg2[%add3A_14] : memref<323584xi32, #tpu.memory_space<hbm>> -> memref<128xi32, #tpu.memory_space<hbm>>
        %dma_start3A_38 = tpu.memref_slice %arg2[%add3A_14] : memref<323584xi32, #tpu.memory_space<hbm>> -> memref<128xi32, #tpu.memory_space<hbm>>
        tpu.enqueue_dma source(%dma_start3A_38 : memref<128xi32, #tpu.memory_space<hbm>>) target(%arg6 : memref<128xi32, #tpu.memory_space<vmem>>) target_semaphore(%run_scoped3A : memref<!tpu.dma_semaphore, #tpu.memory_space<semaphore_mem>>)
        %dma_wait3A = tpu.memref_slice %arg2[%add3A_14] : memref<323584xi32, #tpu.memory_space<hbm>> -> memref<128xi32, #tpu.memory_space<hbm>>
        %dma_wait3A_39 = tpu.memref_slice %arg2[%add3A_14] : memref<323584xi32, #tpu.memory_space<hbm>> -> memref<128xi32, #tpu.memory_space<hbm>>
        tpu.wait_dma2 semaphore(%run_scoped3A : memref<!tpu.dma_semaphore, #tpu.memory_space<semaphore_mem>>) src(%dma_wait3A_39 : memref<128xi32, #tpu.memory_space<hbm>>) dst(%arg6 : memref<128xi32, #tpu.memory_space<vmem>>)
        tpu.yield
      }) : () -> ()
      %get3A = arith.constant 0 : index
      %get3A_15 = tpu.vector_load %arg6[%get3A] {strides = array<i32>} : memref<128xi32, #tpu.memory_space<vmem>>, vector<16xi32>,
      %get3A_16 = vector.shape_cast %get3A_15 : vector<16xi32> to vector<16xi32>
      "tpu.region"() ({
        %run_scoped3A = tpu.sem_alloc : memref<!tpu.dma_semaphore, #tpu.memory_space<semaphore_mem>>
        %dma_start3A = arith.constant 0 : i32
        %dma_start3A_38 = arith.constant 0 : i32
        %dma_start3A_39 = tpu.memref_slice %arg8[%dma_start3A, %dma_start3A_38] : memref<10112x128xf32, #tpu.memory_space<vmem_shared>> -> memref<10112x128xf32, #tpu.memory_space<vmem_shared>>
        tpu.enqueue_indirect_dma source(%arg7 : memref<16x128xf32, #tpu.memory_space<vmem>>) target(%dma_start3A_39 : memref<10112x128xf32, #tpu.memory_space<vmem_shared>>) offsets(%get3A_16 : vector<16xi32>) semaphore(%run_scoped3A : memref<!tpu.dma_semaphore, #tpu.memory_space<semaphore_mem>>) {add = true}
        %dma_wait3A = arith.constant 0 : i32
        %dma_wait3A_40 = arith.constant 0 : i32
        %dma_wait3A_41 = tpu.memref_slice %arg8[%dma_wait3A, %dma_wait3A_40] : memref<10112x128xf32, #tpu.memory_space<vmem_shared>> -> memref<10112x128xf32, #tpu.memory_space<vmem_shared>>
        tpu.wait_indirect_dma semaphore(%run_scoped3A : memref<!tpu.dma_semaphore, #tpu.memory_space<semaphore_mem>>) src(%arg7 : memref<16x128xf32, #tpu.memory_space<vmem>>) dst(%dma_wait3A_41 : memref<10112x128xf32, #tpu.memory_space<vmem_shared>>)
        tpu.yield
      }) : () -> ()
      %get3A_17 = arith.constant 16 : index
      %get3A_18 = tpu.vector_load %arg6[%get3A_17] {strides = array<i32>} : memref<128xi32, #tpu.memory_space<vmem>>, vector<16xi32>,
      %get3A_19 = vector.shape_cast %get3A_18 : vector<16xi32> to vector<16xi32>
      "tpu.region"() ({
        %run_scoped3A = tpu.sem_alloc : memref<!tpu.dma_semaphore, #tpu.memory_space<semaphore_mem>>
        %dma_start3A = arith.constant 0 : i32
        %dma_start3A_38 = arith.constant 0 : i32
        %dma_start3A_39 = tpu.memref_slice %arg8[%dma_start3A, %dma_start3A_38] : memref<10112x128xf32, #tpu.memory_space<vmem_shared>> -> memref<10112x128xf32, #tpu.memory_space<vmem_shared>>
        tpu.enqueue_indirect_dma source(%arg7 : memref<16x128xf32, #tpu.memory_space<vmem>>) target(%dma_start3A_39 : memref<10112x128xf32, #tpu.memory_space<vmem_shared>>) offsets(%get3A_19 : vector<16xi32>) semaphore(%run_scoped3A : memref<!tpu.dma_semaphore, #tpu.memory_space<semaphore_mem>>) {add = true}
        %dma_wait3A = arith.constant 0 : i32
        %dma_wait3A_40 = arith.constant 0 : i32
        %dma_wait3A_41 = tpu.memref_slice %arg8[%dma_wait3A, %dma_wait3A_40] : memref<10112x128xf32, #tpu.memory_space<vmem_shared>> -> memref<10112x128xf32, #tpu.memory_space<vmem_shared>>
        tpu.wait_indirect_dma semaphore(%run_scoped3A : memref<!tpu.dma_semaphore, #tpu.memory_space<semaphore_mem>>) src(%arg7 : memref<16x128xf32, #tpu.memory_space<vmem>>) dst(%dma_wait3A_41 : memref<10112x128xf32, #tpu.memory_space<vmem_shared>>)
        tpu.yield
      }) : () -> ()
      %get3A_20 = arith.constant 32 : index
      %get3A_21 = tpu.vector_load %arg6[%get3A_20] {strides = array<i32>} : memref<128xi32, #tpu.memory_space<vmem>>, vector<16xi32>,
      %get3A_22 = vector.shape_cast %get3A_21 : vector<16xi32> to vector<16xi32>
      "tpu.region"() ({
        %run_scoped3A = tpu.sem_alloc : memref<!tpu.dma_semaphore, #tpu.memory_space<semaphore_mem>>
        %dma_start3A = arith.constant 0 : i32
        %dma_start3A_38 = arith.constant 0 : i32
        %dma_start3A_39 = tpu.memref_slice %arg8[%dma_start3A, %dma_start3A_38] : memref<10112x128xf32, #tpu.memory_space<vmem_shared>> -> memref<10112x128xf32, #tpu.memory_space<vmem_shared>>
        tpu.enqueue_indirect_dma source(%arg7 : memref<16x128xf32, #tpu.memory_space<vmem>>) target(%dma_start3A_39 : memref<10112x128xf32, #tpu.memory_space<vmem_shared>>) offsets(%get3A_22 : vector<16xi32>) semaphore(%run_scoped3A : memref<!tpu.dma_semaphore, #tpu.memory_space<semaphore_mem>>) {add = true}
        %dma_wait3A = arith.constant 0 : i32
        %dma_wait3A_40 = arith.constant 0 : i32
        %dma_wait3A_41 = tpu.memref_slice %arg8[%dma_wait3A, %dma_wait3A_40] : memref<10112x128xf32, #tpu.memory_space<vmem_shared>> -> memref<10112x128xf32, #tpu.memory_space<vmem_shared>>
        tpu.wait_indirect_dma semaphore(%run_scoped3A : memref<!tpu.dma_semaphore, #tpu.memory_space<semaphore_mem>>) src(%arg7 : memref<16x128xf32, #tpu.memory_space<vmem>>) dst(%dma_wait3A_41 : memref<10112x128xf32, #tpu.memory_space<vmem_shared>>)
        tpu.yield
      }) : () -> ()
      %get3A_23 = arith.constant 48 : index
      %get3A_24 = tpu.vector_load %arg6[%get3A_23] {strides = array<i32>} : memref<128xi32, #tpu.memory_space<vmem>>, vector<16xi32>,
      %get3A_25 = vector.shape_cast %get3A_24 : vector<16xi32> to vector<16xi32>
      "tpu.region"() ({
        %run_scoped3A = tpu.sem_alloc : memref<!tpu.dma_semaphore, #tpu.memory_space<semaphore_mem>>
        %dma_start3A = arith.constant 0 : i32
        %dma_start3A_38 = arith.constant 0 : i32
        %dma_start3A_39 = tpu.memref_slice %arg8[%dma_start3A, %dma_start3A_38] : memref<10112x128xf32, #tpu.memory_space<vmem_shared>> -> memref<10112x128xf32, #tpu.memory_space<vmem_shared>>
        tpu.enqueue_indirect_dma source(%arg7 : memref<16x128xf32, #tpu.memory_space<vmem>>) target(%dma_start3A_39 : memref<10112x128xf32, #tpu.memory_space<vmem_shared>>) offsets(%get3A_25 : vector<16xi32>) semaphore(%run_scoped3A : memref<!tpu.dma_semaphore, #tpu.memory_space<semaphore_mem>>) {add = true}
        %dma_wait3A = arith.constant 0 : i32
        %dma_wait3A_40 = arith.constant 0 : i32
        %dma_wait3A_41 = tpu.memref_slice %arg8[%dma_wait3A, %dma_wait3A_40] : memref<10112x128xf32, #tpu.memory_space<vmem_shared>> -> memref<10112x128xf32, #tpu.memory_space<vmem_shared>>
        tpu.wait_indirect_dma semaphore(%run_scoped3A : memref<!tpu.dma_semaphore, #tpu.memory_space<semaphore_mem>>) src(%arg7 : memref<16x128xf32, #tpu.memory_space<vmem>>) dst(%dma_wait3A_41 : memref<10112x128xf32, #tpu.memory_space<vmem_shared>>)
        tpu.yield
      }) : () -> ()
      %get3A_26 = arith.constant 64 : index
      %get3A_27 = tpu.vector_load %arg6[%get3A_26] {strides = array<i32>} : memref<128xi32, #tpu.memory_space<vmem>>, vector<16xi32>,
      %get3A_28 = vector.shape_cast %get3A_27 : vector<16xi32> to vector<16xi32>
      "tpu.region"() ({
        %run_scoped3A = tpu.sem_alloc : memref<!tpu.dma_semaphore, #tpu.memory_space<semaphore_mem>>
        %dma_start3A = arith.constant 0 : i32
        %dma_start3A_38 = arith.constant 0 : i32
        %dma_start3A_39 = tpu.memref_slice %arg8[%dma_start3A, %dma_start3A_38] : memref<10112x128xf32, #tpu.memory_space<vmem_shared>> -> memref<10112x128xf32, #tpu.memory_space<vmem_shared>>
        tpu.enqueue_indirect_dma source(%arg7 : memref<16x128xf32, #tpu.memory_space<vmem>>) target(%dma_start3A_39 : memref<10112x128xf32, #tpu.memory_space<vmem_shared>>) offsets(%get3A_28 : vector<16xi32>) semaphore(%run_scoped3A : memref<!tpu.dma_semaphore, #tpu.memory_space<semaphore_mem>>) {add = true}
        %dma_wait3A = arith.constant 0 : i32
        %dma_wait3A_40 = arith.constant 0 : i32
        %dma_wait3A_41 = tpu.memref_slice %arg8[%dma_wait3A, %dma_wait3A_40] : memref<10112x128xf32, #tpu.memory_space<vmem_shared>> -> memref<10112x128xf32, #tpu.memory_space<vmem_shared>>
        tpu.wait_indirect_dma semaphore(%run_scoped3A : memref<!tpu.dma_semaphore, #tpu.memory_space<semaphore_mem>>) src(%arg7 : memref<16x128xf32, #tpu.memory_space<vmem>>) dst(%dma_wait3A_41 : memref<10112x128xf32, #tpu.memory_space<vmem_shared>>)
        tpu.yield
      }) : () -> ()
      %get3A_29 = arith.constant 80 : index
      %get3A_30 = tpu.vector_load %arg6[%get3A_29] {strides = array<i32>} : memref<128xi32, #tpu.memory_space<vmem>>, vector<16xi32>,
      %get3A_31 = vector.shape_cast %get3A_30 : vector<16xi32> to vector<16xi32>
      "tpu.region"() ({
        %run_scoped3A = tpu.sem_alloc : memref<!tpu.dma_semaphore, #tpu.memory_space<semaphore_mem>>
        %dma_start3A = arith.constant 0 : i32
        %dma_start3A_38 = arith.constant 0 : i32
        %dma_start3A_39 = tpu.memref_slice %arg8[%dma_start3A, %dma_start3A_38] : memref<10112x128xf32, #tpu.memory_space<vmem_shared>> -> memref<10112x128xf32, #tpu.memory_space<vmem_shared>>
        tpu.enqueue_indirect_dma source(%arg7 : memref<16x128xf32, #tpu.memory_space<vmem>>) target(%dma_start3A_39 : memref<10112x128xf32, #tpu.memory_space<vmem_shared>>) offsets(%get3A_31 : vector<16xi32>) semaphore(%run_scoped3A : memref<!tpu.dma_semaphore, #tpu.memory_space<semaphore_mem>>) {add = true}
        %dma_wait3A = arith.constant 0 : i32
        %dma_wait3A_40 = arith.constant 0 : i32
        %dma_wait3A_41 = tpu.memref_slice %arg8[%dma_wait3A, %dma_wait3A_40] : memref<10112x128xf32, #tpu.memory_space<vmem_shared>> -> memref<10112x128xf32, #tpu.memory_space<vmem_shared>>
        tpu.wait_indirect_dma semaphore(%run_scoped3A : memref<!tpu.dma_semaphore, #tpu.memory_space<semaphore_mem>>) src(%arg7 : memref<16x128xf32, #tpu.memory_space<vmem>>) dst(%dma_wait3A_41 : memref<10112x128xf32, #tpu.memory_space<vmem_shared>>)
        tpu.yield
      }) : () -> ()
      %get3A_32 = arith.constant 96 : index
      %get3A_33 = tpu.vector_load %arg6[%get3A_32] {strides = array<i32>} : memref<128xi32, #tpu.memory_space<vmem>>, vector<16xi32>,
      %get3A_34 = vector.shape_cast %get3A_33 : vector<16xi32> to vector<16xi32>
      "tpu.region"() ({
        %run_scoped3A = tpu.sem_alloc : memref<!tpu.dma_semaphore, #tpu.memory_space<semaphore_mem>>
        %dma_start3A = arith.constant 0 : i32
        %dma_start3A_38 = arith.constant 0 : i32
        %dma_start3A_39 = tpu.memref_slice %arg8[%dma_start3A, %dma_start3A_38] : memref<10112x128xf32, #tpu.memory_space<vmem_shared>> -> memref<10112x128xf32, #tpu.memory_space<vmem_shared>>
        tpu.enqueue_indirect_dma source(%arg7 : memref<16x128xf32, #tpu.memory_space<vmem>>) target(%dma_start3A_39 : memref<10112x128xf32, #tpu.memory_space<vmem_shared>>) offsets(%get3A_34 : vector<16xi32>) semaphore(%run_scoped3A : memref<!tpu.dma_semaphore, #tpu.memory_space<semaphore_mem>>) {add = true}
        %dma_wait3A = arith.constant 0 : i32
        %dma_wait3A_40 = arith.constant 0 : i32
        %dma_wait3A_41 = tpu.memref_slice %arg8[%dma_wait3A, %dma_wait3A_40] : memref<10112x128xf32, #tpu.memory_space<vmem_shared>> -> memref<10112x128xf32, #tpu.memory_space<vmem_shared>>
        tpu.wait_indirect_dma semaphore(%run_scoped3A : memref<!tpu.dma_semaphore, #tpu.memory_space<semaphore_mem>>) src(%arg7 : memref<16x128xf32, #tpu.memory_space<vmem>>) dst(%dma_wait3A_41 : memref<10112x128xf32, #tpu.memory_space<vmem_shared>>)
        tpu.yield
      }) : () -> ()
      %get3A_35 = arith.constant 112 : index
      %get3A_36 = tpu.vector_load %arg6[%get3A_35] {strides = array<i32>} : memref<128xi32, #tpu.memory_space<vmem>>, vector<16xi32>,
      %get3A_37 = vector.shape_cast %get3A_36 : vector<16xi32> to vector<16xi32>
      "tpu.region"() ({
        %run_scoped3A = tpu.sem_alloc : memref<!tpu.dma_semaphore, #tpu.memory_space<semaphore_mem>>
        %dma_start3A = arith.constant 0 : i32
        %dma_start3A_38 = arith.constant 0 : i32
        %dma_start3A_39 = tpu.memref_slice %arg8[%dma_start3A, %dma_start3A_38] : memref<10112x128xf32, #tpu.memory_space<vmem_shared>> -> memref<10112x128xf32, #tpu.memory_space<vmem_shared>>
        tpu.enqueue_indirect_dma source(%arg7 : memref<16x128xf32, #tpu.memory_space<vmem>>) target(%dma_start3A_39 : memref<10112x128xf32, #tpu.memory_space<vmem_shared>>) offsets(%get3A_37 : vector<16xi32>) semaphore(%run_scoped3A : memref<!tpu.dma_semaphore, #tpu.memory_space<semaphore_mem>>) {add = true}
        %dma_wait3A = arith.constant 0 : i32
        %dma_wait3A_40 = arith.constant 0 : i32
        %dma_wait3A_41 = tpu.memref_slice %arg8[%dma_wait3A, %dma_wait3A_40] : memref<10112x128xf32, #tpu.memory_space<vmem_shared>> -> memref<10112x128xf32, #tpu.memory_space<vmem_shared>>
        tpu.wait_indirect_dma semaphore(%run_scoped3A : memref<!tpu.dma_semaphore, #tpu.memory_space<semaphore_mem>>) src(%arg7 : memref<16x128xf32, #tpu.memory_space<vmem>>) dst(%dma_wait3A_41 : memref<10112x128xf32, #tpu.memory_space<vmem_shared>>)
        tpu.yield
      }) : () -> ()
    }
    %scan3A_7 = arith.constant 79 : i32
    %barrier3A_8 = arith.constant 0 : index
    tpu.barrier barrier_id(%barrier3A_8)
    "tpu.region"() ({
      %run_scoped3A = tpu.sem_alloc : memref<!tpu.dma_semaphore, #tpu.memory_space<semaphore_mem>>
      %dma_start3A = arith.constant 0 : i32
      %dma_start3A_9 = tpu.memref_slice %arg5[%arg0, %mul3A_2, %dma_start3A] : memref<2x10112x128xf32, #tpu.memory_space<hbm>> -> memref<1x632x128xf32, #tpu.memory_space<hbm>>
      %dma_start3A_10 = tpu.memref_squeeze %dma_start3A_9 : memref<1x632x128xf32, #tpu.memory_space<hbm>> -> memref<632x128xf32, #tpu.memory_space<hbm>>
      %dma_start3A_11 = arith.constant 0 : i32
      %dma_start3A_12 = tpu.memref_slice %arg8[%mul3A_2, %dma_start3A_11] : memref<10112x128xf32, #tpu.memory_space<vmem_shared>> -> memref<632x128xf32, #tpu.memory_space<vmem_shared>>
      tpu.enqueue_dma source(%dma_start3A_12 : memref<632x128xf32, #tpu.memory_space<vmem_shared>>) target(%dma_start3A_10 : memref<632x128xf32, #tpu.memory_space<hbm>>) target_semaphore(%run_scoped3A : memref<!tpu.dma_semaphore, #tpu.memory_space<semaphore_mem>>)
      %dma_wait3A = arith.constant 0 : i32
      %dma_wait3A_13 = tpu.memref_slice %arg5[%arg0, %mul3A_2, %dma_wait3A] : memref<2x10112x128xf32, #tpu.memory_space<hbm>> -> memref<1x632x128xf32, #tpu.memory_space<hbm>>
      %dma_wait3A_14 = tpu.memref_squeeze %dma_wait3A_13 : memref<1x632x128xf32, #tpu.memory_space<hbm>> -> memref<632x128xf32, #tpu.memory_space<hbm>>
      %dma_wait3A_15 = arith.constant 0 : i32
      %dma_wait3A_16 = tpu.memref_slice %arg8[%mul3A_2, %dma_wait3A_15] : memref<10112x128xf32, #tpu.memory_space<vmem_shared>> -> memref<632x128xf32, #tpu.memory_space<vmem_shared>>
      tpu.wait_dma2 semaphore(%run_scoped3A : memref<!tpu.dma_semaphore, #tpu.memory_space<semaphore_mem>>) src(%dma_wait3A_16 : memref<632x128xf32, #tpu.memory_space<vmem_shared>>) dst(%dma_wait3A_14 : memref<632x128xf32, #tpu.memory_space<hbm>>)
      tpu.yield
    }) : () -> ()
    return
  }
}

#map = affine_map<(d0, d1) -> (0, 0)>
#map1 = affine_map<(d0, d1) -> (0)>
#map2 = affine_map<(d0, d1) -> (0, 0, 0)>
module attributes {stable_mosaic.version = 14 : i64} {
  func.func @body(%arg0: i32, %arg1: i32, %arg2: memref<10112x128xf32, #tpu.memory_space<hbm>>, %arg3: memref<323584xi32, #tpu.memory_space<hbm>>, %arg4: memref<323584xi32, #tpu.memory_space<hbm>>, %arg5: memref<10112x128xf32, #tpu.memory_space<hbm>>, %arg6: memref<2x10112x128xf32, #tpu.memory_space<hbm>>, %arg7: memref<128xi32, #tpu.memory_space<vmem>>, %arg8: memref<128xi32, #tpu.memory_space<vmem>>, %arg9: memref<128x128xf32, #tpu.memory_space<vmem>>, %arg10: memref<10112x128xf32, #tpu.memory_space<vmem_shared>>, %arg11: memref<!tpu.dma_semaphore, #tpu.memory_space<semaphore_mem>>) attributes {dimension_semantics = [#tpu.dimension_semantics<core_parallel>, #tpu.dimension_semantics<subcore_parallel>], iteration_bounds = array<i64: 2, 16>, scalar_prefetch = 0 : i64, scratch_operands = 5 : i64, tpu.core_type = #tpu.core_type<sc_vector_subcore>, window_params = [{transform_indices = #map}, {transform_indices = #map1}, {transform_indices = #map1}, {transform_indices = #map}, {transform_indices = #map2}]} {
    %mul3A = arith.constant 2 : i32
    %mul3A_0 = arith.muli %arg1, %mul3A : i32
    %add3A = arith.addi %mul3A_0, %arg0 : i32
    %mul3A_1 = arith.constant 632 : i32
    %mul3A_2 = arith.muli %arg1, %mul3A_1 : i32
    "tpu.region"() ({
      %run_scoped3A = tpu.sem_alloc : memref<!tpu.dma_semaphore, #tpu.memory_space<semaphore_mem>>
      %dma_start3A = arith.constant 0 : i32
      %dma_start3A_9 = tpu.memref_slice %arg10[%mul3A_2, %dma_start3A] : memref<10112x128xf32, #tpu.memory_space<vmem_shared>> -> memref<632x128xf32, #tpu.memory_space<vmem_shared>>
      %dma_start3A_10 = arith.constant 0 : i32
      %dma_start3A_11 = tpu.memref_slice %arg5[%mul3A_2, %dma_start3A_10] : memref<10112x128xf32, #tpu.memory_space<hbm>> -> memref<632x128xf32, #tpu.memory_space<hbm>>
      tpu.enqueue_dma source(%dma_start3A_11 : memref<632x128xf32, #tpu.memory_space<hbm>>) target(%dma_start3A_9 : memref<632x128xf32, #tpu.memory_space<vmem_shared>>) target_semaphore(%run_scoped3A : memref<!tpu.dma_semaphore, #tpu.memory_space<semaphore_mem>>)
      %dma_wait3A = arith.constant 0 : i32
      %dma_wait3A_12 = tpu.memref_slice %arg10[%mul3A_2, %dma_wait3A] : memref<10112x128xf32, #tpu.memory_space<vmem_shared>> -> memref<632x128xf32, #tpu.memory_space<vmem_shared>>
      %dma_wait3A_13 = arith.constant 0 : i32
      %dma_wait3A_14 = tpu.memref_slice %arg5[%mul3A_2, %dma_wait3A_13] : memref<10112x128xf32, #tpu.memory_space<hbm>> -> memref<632x128xf32, #tpu.memory_space<hbm>>
      tpu.wait_dma2 semaphore(%run_scoped3A : memref<!tpu.dma_semaphore, #tpu.memory_space<semaphore_mem>>) src(%dma_wait3A_14 : memref<632x128xf32, #tpu.memory_space<hbm>>) dst(%dma_wait3A_12 : memref<632x128xf32, #tpu.memory_space<vmem_shared>>)
      tpu.yield
    }) : () -> ()
    %barrier3A = arith.constant 0 : index
    tpu.barrier barrier_id(%barrier3A)
    %scan3A = arith.constant 0 : i32
    %scan3A_3 = arith.constant 0 : i32
    %scan3A_4 = arith.constant 79 : i32
    %scan3A_5 = arith.addi %scan3A_3, %scan3A_4 : i32
    %scan3A_6 = arith.constant 1 : i32
    scf.for %scan3A_9 = %scan3A_3 to %scan3A_5 step %scan3A_6  : i32 {
      %mul3A_10 = arith.constant 10112 : i32
      %mul3A_11 = arith.muli %add3A, %mul3A_10 : i32
      %mul3A_12 = arith.constant 128 : i32
      %mul3A_13 = arith.muli %scan3A_9, %mul3A_12 : i32
      %add3A_14 = arith.addi %mul3A_11, %mul3A_13 : i32
      "tpu.region"() ({
        %run_scoped3A = tpu.sem_alloc : memref<!tpu.dma_semaphore, #tpu.memory_space<semaphore_mem>>
        %dma_start3A_42 = tpu.memref_slice %arg3[%add3A_14] : memref<323584xi32, #tpu.memory_space<hbm>> -> memref<128xi32, #tpu.memory_space<hbm>>
        %dma_start3A_43 = tpu.memref_slice %arg3[%add3A_14] : memref<323584xi32, #tpu.memory_space<hbm>> -> memref<128xi32, #tpu.memory_space<hbm>>
        tpu.enqueue_dma source(%dma_start3A_43 : memref<128xi32, #tpu.memory_space<hbm>>) target(%arg7 : memref<128xi32, #tpu.memory_space<vmem>>) target_semaphore(%run_scoped3A : memref<!tpu.dma_semaphore, #tpu.memory_space<semaphore_mem>>)
        %dma_wait3A_44 = tpu.memref_slice %arg3[%add3A_14] : memref<323584xi32, #tpu.memory_space<hbm>> -> memref<128xi32, #tpu.memory_space<hbm>>
        %dma_wait3A_45 = tpu.memref_slice %arg3[%add3A_14] : memref<323584xi32, #tpu.memory_space<hbm>> -> memref<128xi32, #tpu.memory_space<hbm>>
        tpu.wait_dma2 semaphore(%run_scoped3A : memref<!tpu.dma_semaphore, #tpu.memory_space<semaphore_mem>>) src(%dma_wait3A_45 : memref<128xi32, #tpu.memory_space<hbm>>) dst(%arg7 : memref<128xi32, #tpu.memory_space<vmem>>)
        tpu.yield
      }) : () -> ()
      "tpu.region"() ({
        %run_scoped3A = tpu.sem_alloc : memref<!tpu.dma_semaphore, #tpu.memory_space<semaphore_mem>>
        %dma_start3A_42 = tpu.memref_slice %arg4[%add3A_14] : memref<323584xi32, #tpu.memory_space<hbm>> -> memref<128xi32, #tpu.memory_space<hbm>>
        %dma_start3A_43 = tpu.memref_slice %arg4[%add3A_14] : memref<323584xi32, #tpu.memory_space<hbm>> -> memref<128xi32, #tpu.memory_space<hbm>>
        tpu.enqueue_dma source(%dma_start3A_43 : memref<128xi32, #tpu.memory_space<hbm>>) target(%arg8 : memref<128xi32, #tpu.memory_space<vmem>>) target_semaphore(%run_scoped3A : memref<!tpu.dma_semaphore, #tpu.memory_space<semaphore_mem>>)
        %dma_wait3A_44 = tpu.memref_slice %arg4[%add3A_14] : memref<323584xi32, #tpu.memory_space<hbm>> -> memref<128xi32, #tpu.memory_space<hbm>>
        %dma_wait3A_45 = tpu.memref_slice %arg4[%add3A_14] : memref<323584xi32, #tpu.memory_space<hbm>> -> memref<128xi32, #tpu.memory_space<hbm>>
        tpu.wait_dma2 semaphore(%run_scoped3A : memref<!tpu.dma_semaphore, #tpu.memory_space<semaphore_mem>>) src(%dma_wait3A_45 : memref<128xi32, #tpu.memory_space<hbm>>) dst(%arg8 : memref<128xi32, #tpu.memory_space<vmem>>)
        tpu.yield
      }) : () -> ()
      %dma_start3A = arith.constant 0 : i32
      %dma_start3A_15 = arith.constant 0 : i32
      %dma_start3A_16 = tpu.memref_slice %arg2[%dma_start3A, %dma_start3A_15] : memref<10112x128xf32, #tpu.memory_space<hbm>> -> memref<10112x128xf32, #tpu.memory_space<hbm>>
      tpu.enqueue_indirect_dma source(%dma_start3A_16 : memref<10112x128xf32, #tpu.memory_space<hbm>>) target(%arg9 : memref<128x128xf32, #tpu.memory_space<vmem>>) offsets(%arg7 : memref<128xi32, #tpu.memory_space<vmem>>) semaphore(%arg11 : memref<!tpu.dma_semaphore, #tpu.memory_space<semaphore_mem>>)
      %dma_wait3A = arith.constant 0 : i32
      %dma_wait3A_17 = arith.constant 0 : i32
      %dma_wait3A_18 = tpu.memref_slice %arg2[%dma_wait3A, %dma_wait3A_17] : memref<10112x128xf32, #tpu.memory_space<hbm>> -> memref<10112x128xf32, #tpu.memory_space<hbm>>
      tpu.wait_indirect_dma semaphore(%arg11 : memref<!tpu.dma_semaphore, #tpu.memory_space<semaphore_mem>>) src(%dma_wait3A_18 : memref<10112x128xf32, #tpu.memory_space<hbm>>) dst(%arg9 : memref<128x128xf32, #tpu.memory_space<vmem>>)
      %get3A = arith.constant 0 : index
      %get3A_19 = tpu.vector_load %arg8[%get3A] {strides = array<i32>} : memref<128xi32, #tpu.memory_space<vmem>>, vector<16xi32>,
      %get3A_20 = vector.shape_cast %get3A_19 : vector<16xi32> to vector<16xi32>
      "tpu.region"() ({
        %run_scoped3A = tpu.sem_alloc : memref<!tpu.dma_semaphore, #tpu.memory_space<semaphore_mem>>
        %dma_start3A_42 = arith.constant 0 : i32
        %dma_start3A_43 = arith.constant 0 : i32
        %dma_start3A_44 = tpu.memref_slice %arg9[%dma_start3A_42, %dma_start3A_43] : memref<128x128xf32, #tpu.memory_space<vmem>> -> memref<16x128xf32, #tpu.memory_space<vmem>>
        %dma_start3A_45 = arith.constant 0 : i32
        %dma_start3A_46 = arith.constant 0 : i32
        %dma_start3A_47 = tpu.memref_slice %arg10[%dma_start3A_45, %dma_start3A_46] : memref<10112x128xf32, #tpu.memory_space<vmem_shared>> -> memref<10112x128xf32, #tpu.memory_space<vmem_shared>>
        tpu.enqueue_indirect_dma source(%dma_start3A_44 : memref<16x128xf32, #tpu.memory_space<vmem>>) target(%dma_start3A_47 : memref<10112x128xf32, #tpu.memory_space<vmem_shared>>) offsets(%get3A_20 : vector<16xi32>) semaphore(%run_scoped3A : memref<!tpu.dma_semaphore, #tpu.memory_space<semaphore_mem>>) {add = true}
        %dma_wait3A_48 = arith.constant 0 : i32
        %dma_wait3A_49 = arith.constant 0 : i32
        %dma_wait3A_50 = tpu.memref_slice %arg9[%dma_wait3A_48, %dma_wait3A_49] : memref<128x128xf32, #tpu.memory_space<vmem>> -> memref<16x128xf32, #tpu.memory_space<vmem>>
        %dma_wait3A_51 = arith.constant 0 : i32
        %dma_wait3A_52 = arith.constant 0 : i32
        %dma_wait3A_53 = tpu.memref_slice %arg10[%dma_wait3A_51, %dma_wait3A_52] : memref<10112x128xf32, #tpu.memory_space<vmem_shared>> -> memref<10112x128xf32, #tpu.memory_space<vmem_shared>>
        tpu.wait_indirect_dma semaphore(%run_scoped3A : memref<!tpu.dma_semaphore, #tpu.memory_space<semaphore_mem>>) src(%dma_wait3A_50 : memref<16x128xf32, #tpu.memory_space<vmem>>) dst(%dma_wait3A_53 : memref<10112x128xf32, #tpu.memory_space<vmem_shared>>)
        tpu.yield
      }) : () -> ()
      %get3A_21 = arith.constant 16 : index
      %get3A_22 = tpu.vector_load %arg8[%get3A_21] {strides = array<i32>} : memref<128xi32, #tpu.memory_space<vmem>>, vector<16xi32>,
      %get3A_23 = vector.shape_cast %get3A_22 : vector<16xi32> to vector<16xi32>
      "tpu.region"() ({
        %run_scoped3A = tpu.sem_alloc : memref<!tpu.dma_semaphore, #tpu.memory_space<semaphore_mem>>
        %dma_start3A_42 = arith.constant 16 : i32
        %dma_start3A_43 = arith.constant 0 : i32
        %dma_start3A_44 = tpu.memref_slice %arg9[%dma_start3A_42, %dma_start3A_43] : memref<128x128xf32, #tpu.memory_space<vmem>> -> memref<16x128xf32, #tpu.memory_space<vmem>>
        %dma_start3A_45 = arith.constant 0 : i32
        %dma_start3A_46 = arith.constant 0 : i32
        %dma_start3A_47 = tpu.memref_slice %arg10[%dma_start3A_45, %dma_start3A_46] : memref<10112x128xf32, #tpu.memory_space<vmem_shared>> -> memref<10112x128xf32, #tpu.memory_space<vmem_shared>>
        tpu.enqueue_indirect_dma source(%dma_start3A_44 : memref<16x128xf32, #tpu.memory_space<vmem>>) target(%dma_start3A_47 : memref<10112x128xf32, #tpu.memory_space<vmem_shared>>) offsets(%get3A_23 : vector<16xi32>) semaphore(%run_scoped3A : memref<!tpu.dma_semaphore, #tpu.memory_space<semaphore_mem>>) {add = true}
        %dma_wait3A_48 = arith.constant 16 : i32
        %dma_wait3A_49 = arith.constant 0 : i32
        %dma_wait3A_50 = tpu.memref_slice %arg9[%dma_wait3A_48, %dma_wait3A_49] : memref<128x128xf32, #tpu.memory_space<vmem>> -> memref<16x128xf32, #tpu.memory_space<vmem>>
        %dma_wait3A_51 = arith.constant 0 : i32
        %dma_wait3A_52 = arith.constant 0 : i32
        %dma_wait3A_53 = tpu.memref_slice %arg10[%dma_wait3A_51, %dma_wait3A_52] : memref<10112x128xf32, #tpu.memory_space<vmem_shared>> -> memref<10112x128xf32, #tpu.memory_space<vmem_shared>>
        tpu.wait_indirect_dma semaphore(%run_scoped3A : memref<!tpu.dma_semaphore, #tpu.memory_space<semaphore_mem>>) src(%dma_wait3A_50 : memref<16x128xf32, #tpu.memory_space<vmem>>) dst(%dma_wait3A_53 : memref<10112x128xf32, #tpu.memory_space<vmem_shared>>)
        tpu.yield
      }) : () -> ()
      %get3A_24 = arith.constant 32 : index
      %get3A_25 = tpu.vector_load %arg8[%get3A_24] {strides = array<i32>} : memref<128xi32, #tpu.memory_space<vmem>>, vector<16xi32>,
      %get3A_26 = vector.shape_cast %get3A_25 : vector<16xi32> to vector<16xi32>
      "tpu.region"() ({
        %run_scoped3A = tpu.sem_alloc : memref<!tpu.dma_semaphore, #tpu.memory_space<semaphore_mem>>
        %dma_start3A_42 = arith.constant 32 : i32
        %dma_start3A_43 = arith.constant 0 : i32
        %dma_start3A_44 = tpu.memref_slice %arg9[%dma_start3A_42, %dma_start3A_43] : memref<128x128xf32, #tpu.memory_space<vmem>> -> memref<16x128xf32, #tpu.memory_space<vmem>>
        %dma_start3A_45 = arith.constant 0 : i32
        %dma_start3A_46 = arith.constant 0 : i32
        %dma_start3A_47 = tpu.memref_slice %arg10[%dma_start3A_45, %dma_start3A_46] : memref<10112x128xf32, #tpu.memory_space<vmem_shared>> -> memref<10112x128xf32, #tpu.memory_space<vmem_shared>>
        tpu.enqueue_indirect_dma source(%dma_start3A_44 : memref<16x128xf32, #tpu.memory_space<vmem>>) target(%dma_start3A_47 : memref<10112x128xf32, #tpu.memory_space<vmem_shared>>) offsets(%get3A_26 : vector<16xi32>) semaphore(%run_scoped3A : memref<!tpu.dma_semaphore, #tpu.memory_space<semaphore_mem>>) {add = true}
        %dma_wait3A_48 = arith.constant 32 : i32
        %dma_wait3A_49 = arith.constant 0 : i32
        %dma_wait3A_50 = tpu.memref_slice %arg9[%dma_wait3A_48, %dma_wait3A_49] : memref<128x128xf32, #tpu.memory_space<vmem>> -> memref<16x128xf32, #tpu.memory_space<vmem>>
        %dma_wait3A_51 = arith.constant 0 : i32
        %dma_wait3A_52 = arith.constant 0 : i32
        %dma_wait3A_53 = tpu.memref_slice %arg10[%dma_wait3A_51, %dma_wait3A_52] : memref<10112x128xf32, #tpu.memory_space<vmem_shared>> -> memref<10112x128xf32, #tpu.memory_space<vmem_shared>>
        tpu.wait_indirect_dma semaphore(%run_scoped3A : memref<!tpu.dma_semaphore, #tpu.memory_space<semaphore_mem>>) src(%dma_wait3A_50 : memref<16x128xf32, #tpu.memory_space<vmem>>) dst(%dma_wait3A_53 : memref<10112x128xf32, #tpu.memory_space<vmem_shared>>)
        tpu.yield
      }) : () -> ()
      %get3A_27 = arith.constant 48 : index
      %get3A_28 = tpu.vector_load %arg8[%get3A_27] {strides = array<i32>} : memref<128xi32, #tpu.memory_space<vmem>>, vector<16xi32>,
      %get3A_29 = vector.shape_cast %get3A_28 : vector<16xi32> to vector<16xi32>
      "tpu.region"() ({
        %run_scoped3A = tpu.sem_alloc : memref<!tpu.dma_semaphore, #tpu.memory_space<semaphore_mem>>
        %dma_start3A_42 = arith.constant 48 : i32
        %dma_start3A_43 = arith.constant 0 : i32
        %dma_start3A_44 = tpu.memref_slice %arg9[%dma_start3A_42, %dma_start3A_43] : memref<128x128xf32, #tpu.memory_space<vmem>> -> memref<16x128xf32, #tpu.memory_space<vmem>>
        %dma_start3A_45 = arith.constant 0 : i32
        %dma_start3A_46 = arith.constant 0 : i32
        %dma_start3A_47 = tpu.memref_slice %arg10[%dma_start3A_45, %dma_start3A_46] : memref<10112x128xf32, #tpu.memory_space<vmem_shared>> -> memref<10112x128xf32, #tpu.memory_space<vmem_shared>>
        tpu.enqueue_indirect_dma source(%dma_start3A_44 : memref<16x128xf32, #tpu.memory_space<vmem>>) target(%dma_start3A_47 : memref<10112x128xf32, #tpu.memory_space<vmem_shared>>) offsets(%get3A_29 : vector<16xi32>) semaphore(%run_scoped3A : memref<!tpu.dma_semaphore, #tpu.memory_space<semaphore_mem>>) {add = true}
        %dma_wait3A_48 = arith.constant 48 : i32
        %dma_wait3A_49 = arith.constant 0 : i32
        %dma_wait3A_50 = tpu.memref_slice %arg9[%dma_wait3A_48, %dma_wait3A_49] : memref<128x128xf32, #tpu.memory_space<vmem>> -> memref<16x128xf32, #tpu.memory_space<vmem>>
        %dma_wait3A_51 = arith.constant 0 : i32
        %dma_wait3A_52 = arith.constant 0 : i32
        %dma_wait3A_53 = tpu.memref_slice %arg10[%dma_wait3A_51, %dma_wait3A_52] : memref<10112x128xf32, #tpu.memory_space<vmem_shared>> -> memref<10112x128xf32, #tpu.memory_space<vmem_shared>>
        tpu.wait_indirect_dma semaphore(%run_scoped3A : memref<!tpu.dma_semaphore, #tpu.memory_space<semaphore_mem>>) src(%dma_wait3A_50 : memref<16x128xf32, #tpu.memory_space<vmem>>) dst(%dma_wait3A_53 : memref<10112x128xf32, #tpu.memory_space<vmem_shared>>)
        tpu.yield
      }) : () -> ()
      %get3A_30 = arith.constant 64 : index
      %get3A_31 = tpu.vector_load %arg8[%get3A_30] {strides = array<i32>} : memref<128xi32, #tpu.memory_space<vmem>>, vector<16xi32>,
      %get3A_32 = vector.shape_cast %get3A_31 : vector<16xi32> to vector<16xi32>
      "tpu.region"() ({
        %run_scoped3A = tpu.sem_alloc : memref<!tpu.dma_semaphore, #tpu.memory_space<semaphore_mem>>
        %dma_start3A_42 = arith.constant 64 : i32
        %dma_start3A_43 = arith.constant 0 : i32
        %dma_start3A_44 = tpu.memref_slice %arg9[%dma_start3A_42, %dma_start3A_43] : memref<128x128xf32, #tpu.memory_space<vmem>> -> memref<16x128xf32, #tpu.memory_space<vmem>>
        %dma_start3A_45 = arith.constant 0 : i32
        %dma_start3A_46 = arith.constant 0 : i32
        %dma_start3A_47 = tpu.memref_slice %arg10[%dma_start3A_45, %dma_start3A_46] : memref<10112x128xf32, #tpu.memory_space<vmem_shared>> -> memref<10112x128xf32, #tpu.memory_space<vmem_shared>>
        tpu.enqueue_indirect_dma source(%dma_start3A_44 : memref<16x128xf32, #tpu.memory_space<vmem>>) target(%dma_start3A_47 : memref<10112x128xf32, #tpu.memory_space<vmem_shared>>) offsets(%get3A_32 : vector<16xi32>) semaphore(%run_scoped3A : memref<!tpu.dma_semaphore, #tpu.memory_space<semaphore_mem>>) {add = true}
        %dma_wait3A_48 = arith.constant 64 : i32
        %dma_wait3A_49 = arith.constant 0 : i32
        %dma_wait3A_50 = tpu.memref_slice %arg9[%dma_wait3A_48, %dma_wait3A_49] : memref<128x128xf32, #tpu.memory_space<vmem>> -> memref<16x128xf32, #tpu.memory_space<vmem>>
        %dma_wait3A_51 = arith.constant 0 : i32
        %dma_wait3A_52 = arith.constant 0 : i32
        %dma_wait3A_53 = tpu.memref_slice %arg10[%dma_wait3A_51, %dma_wait3A_52] : memref<10112x128xf32, #tpu.memory_space<vmem_shared>> -> memref<10112x128xf32, #tpu.memory_space<vmem_shared>>
        tpu.wait_indirect_dma semaphore(%run_scoped3A : memref<!tpu.dma_semaphore, #tpu.memory_space<semaphore_mem>>) src(%dma_wait3A_50 : memref<16x128xf32, #tpu.memory_space<vmem>>) dst(%dma_wait3A_53 : memref<10112x128xf32, #tpu.memory_space<vmem_shared>>)
        tpu.yield
      }) : () -> ()
      %get3A_33 = arith.constant 80 : index
      %get3A_34 = tpu.vector_load %arg8[%get3A_33] {strides = array<i32>} : memref<128xi32, #tpu.memory_space<vmem>>, vector<16xi32>,
      %get3A_35 = vector.shape_cast %get3A_34 : vector<16xi32> to vector<16xi32>
      "tpu.region"() ({
        %run_scoped3A = tpu.sem_alloc : memref<!tpu.dma_semaphore, #tpu.memory_space<semaphore_mem>>
        %dma_start3A_42 = arith.constant 80 : i32
        %dma_start3A_43 = arith.constant 0 : i32
        %dma_start3A_44 = tpu.memref_slice %arg9[%dma_start3A_42, %dma_start3A_43] : memref<128x128xf32, #tpu.memory_space<vmem>> -> memref<16x128xf32, #tpu.memory_space<vmem>>
        %dma_start3A_45 = arith.constant 0 : i32
        %dma_start3A_46 = arith.constant 0 : i32
        %dma_start3A_47 = tpu.memref_slice %arg10[%dma_start3A_45, %dma_start3A_46] : memref<10112x128xf32, #tpu.memory_space<vmem_shared>> -> memref<10112x128xf32, #tpu.memory_space<vmem_shared>>
        tpu.enqueue_indirect_dma source(%dma_start3A_44 : memref<16x128xf32, #tpu.memory_space<vmem>>) target(%dma_start3A_47 : memref<10112x128xf32, #tpu.memory_space<vmem_shared>>) offsets(%get3A_35 : vector<16xi32>) semaphore(%run_scoped3A : memref<!tpu.dma_semaphore, #tpu.memory_space<semaphore_mem>>) {add = true}
        %dma_wait3A_48 = arith.constant 80 : i32
        %dma_wait3A_49 = arith.constant 0 : i32
        %dma_wait3A_50 = tpu.memref_slice %arg9[%dma_wait3A_48, %dma_wait3A_49] : memref<128x128xf32, #tpu.memory_space<vmem>> -> memref<16x128xf32, #tpu.memory_space<vmem>>
        %dma_wait3A_51 = arith.constant 0 : i32
        %dma_wait3A_52 = arith.constant 0 : i32
        %dma_wait3A_53 = tpu.memref_slice %arg10[%dma_wait3A_51, %dma_wait3A_52] : memref<10112x128xf32, #tpu.memory_space<vmem_shared>> -> memref<10112x128xf32, #tpu.memory_space<vmem_shared>>
        tpu.wait_indirect_dma semaphore(%run_scoped3A : memref<!tpu.dma_semaphore, #tpu.memory_space<semaphore_mem>>) src(%dma_wait3A_50 : memref<16x128xf32, #tpu.memory_space<vmem>>) dst(%dma_wait3A_53 : memref<10112x128xf32, #tpu.memory_space<vmem_shared>>)
        tpu.yield
      }) : () -> ()
      %get3A_36 = arith.constant 96 : index
      %get3A_37 = tpu.vector_load %arg8[%get3A_36] {strides = array<i32>} : memref<128xi32, #tpu.memory_space<vmem>>, vector<16xi32>,
      %get3A_38 = vector.shape_cast %get3A_37 : vector<16xi32> to vector<16xi32>
      "tpu.region"() ({
        %run_scoped3A = tpu.sem_alloc : memref<!tpu.dma_semaphore, #tpu.memory_space<semaphore_mem>>
        %dma_start3A_42 = arith.constant 96 : i32
        %dma_start3A_43 = arith.constant 0 : i32
        %dma_start3A_44 = tpu.memref_slice %arg9[%dma_start3A_42, %dma_start3A_43] : memref<128x128xf32, #tpu.memory_space<vmem>> -> memref<16x128xf32, #tpu.memory_space<vmem>>
        %dma_start3A_45 = arith.constant 0 : i32
        %dma_start3A_46 = arith.constant 0 : i32
        %dma_start3A_47 = tpu.memref_slice %arg10[%dma_start3A_45, %dma_start3A_46] : memref<10112x128xf32, #tpu.memory_space<vmem_shared>> -> memref<10112x128xf32, #tpu.memory_space<vmem_shared>>
        tpu.enqueue_indirect_dma source(%dma_start3A_44 : memref<16x128xf32, #tpu.memory_space<vmem>>) target(%dma_start3A_47 : memref<10112x128xf32, #tpu.memory_space<vmem_shared>>) offsets(%get3A_38 : vector<16xi32>) semaphore(%run_scoped3A : memref<!tpu.dma_semaphore, #tpu.memory_space<semaphore_mem>>) {add = true}
        %dma_wait3A_48 = arith.constant 96 : i32
        %dma_wait3A_49 = arith.constant 0 : i32
        %dma_wait3A_50 = tpu.memref_slice %arg9[%dma_wait3A_48, %dma_wait3A_49] : memref<128x128xf32, #tpu.memory_space<vmem>> -> memref<16x128xf32, #tpu.memory_space<vmem>>
        %dma_wait3A_51 = arith.constant 0 : i32
        %dma_wait3A_52 = arith.constant 0 : i32
        %dma_wait3A_53 = tpu.memref_slice %arg10[%dma_wait3A_51, %dma_wait3A_52] : memref<10112x128xf32, #tpu.memory_space<vmem_shared>> -> memref<10112x128xf32, #tpu.memory_space<vmem_shared>>
        tpu.wait_indirect_dma semaphore(%run_scoped3A : memref<!tpu.dma_semaphore, #tpu.memory_space<semaphore_mem>>) src(%dma_wait3A_50 : memref<16x128xf32, #tpu.memory_space<vmem>>) dst(%dma_wait3A_53 : memref<10112x128xf32, #tpu.memory_space<vmem_shared>>)
        tpu.yield
      }) : () -> ()
      %get3A_39 = arith.constant 112 : index
      %get3A_40 = tpu.vector_load %arg8[%get3A_39] {strides = array<i32>} : memref<128xi32, #tpu.memory_space<vmem>>, vector<16xi32>,
      %get3A_41 = vector.shape_cast %get3A_40 : vector<16xi32> to vector<16xi32>
      "tpu.region"() ({
        %run_scoped3A = tpu.sem_alloc : memref<!tpu.dma_semaphore, #tpu.memory_space<semaphore_mem>>
        %dma_start3A_42 = arith.constant 112 : i32
        %dma_start3A_43 = arith.constant 0 : i32
        %dma_start3A_44 = tpu.memref_slice %arg9[%dma_start3A_42, %dma_start3A_43] : memref<128x128xf32, #tpu.memory_space<vmem>> -> memref<16x128xf32, #tpu.memory_space<vmem>>
        %dma_start3A_45 = arith.constant 0 : i32
        %dma_start3A_46 = arith.constant 0 : i32
        %dma_start3A_47 = tpu.memref_slice %arg10[%dma_start3A_45, %dma_start3A_46] : memref<10112x128xf32, #tpu.memory_space<vmem_shared>> -> memref<10112x128xf32, #tpu.memory_space<vmem_shared>>
        tpu.enqueue_indirect_dma source(%dma_start3A_44 : memref<16x128xf32, #tpu.memory_space<vmem>>) target(%dma_start3A_47 : memref<10112x128xf32, #tpu.memory_space<vmem_shared>>) offsets(%get3A_41 : vector<16xi32>) semaphore(%run_scoped3A : memref<!tpu.dma_semaphore, #tpu.memory_space<semaphore_mem>>) {add = true}
        %dma_wait3A_48 = arith.constant 112 : i32
        %dma_wait3A_49 = arith.constant 0 : i32
        %dma_wait3A_50 = tpu.memref_slice %arg9[%dma_wait3A_48, %dma_wait3A_49] : memref<128x128xf32, #tpu.memory_space<vmem>> -> memref<16x128xf32, #tpu.memory_space<vmem>>
        %dma_wait3A_51 = arith.constant 0 : i32
        %dma_wait3A_52 = arith.constant 0 : i32
        %dma_wait3A_53 = tpu.memref_slice %arg10[%dma_wait3A_51, %dma_wait3A_52] : memref<10112x128xf32, #tpu.memory_space<vmem_shared>> -> memref<10112x128xf32, #tpu.memory_space<vmem_shared>>
        tpu.wait_indirect_dma semaphore(%run_scoped3A : memref<!tpu.dma_semaphore, #tpu.memory_space<semaphore_mem>>) src(%dma_wait3A_50 : memref<16x128xf32, #tpu.memory_space<vmem>>) dst(%dma_wait3A_53 : memref<10112x128xf32, #tpu.memory_space<vmem_shared>>)
        tpu.yield
      }) : () -> ()
    }
    %scan3A_7 = arith.constant 79 : i32
    %barrier3A_8 = arith.constant 0 : index
    tpu.barrier barrier_id(%barrier3A_8)
    "tpu.region"() ({
      %run_scoped3A = tpu.sem_alloc : memref<!tpu.dma_semaphore, #tpu.memory_space<semaphore_mem>>
      %dma_start3A = arith.constant 0 : i32
      %dma_start3A_9 = tpu.memref_slice %arg6[%arg0, %mul3A_2, %dma_start3A] : memref<2x10112x128xf32, #tpu.memory_space<hbm>> -> memref<1x632x128xf32, #tpu.memory_space<hbm>>
      %dma_start3A_10 = tpu.memref_squeeze %dma_start3A_9 : memref<1x632x128xf32, #tpu.memory_space<hbm>> -> memref<632x128xf32, #tpu.memory_space<hbm>>
      %dma_start3A_11 = arith.constant 0 : i32
      %dma_start3A_12 = tpu.memref_slice %arg10[%mul3A_2, %dma_start3A_11] : memref<10112x128xf32, #tpu.memory_space<vmem_shared>> -> memref<632x128xf32, #tpu.memory_space<vmem_shared>>
      tpu.enqueue_dma source(%dma_start3A_12 : memref<632x128xf32, #tpu.memory_space<vmem_shared>>) target(%dma_start3A_10 : memref<632x128xf32, #tpu.memory_space<hbm>>) target_semaphore(%run_scoped3A : memref<!tpu.dma_semaphore, #tpu.memory_space<semaphore_mem>>)
      %dma_wait3A = arith.constant 0 : i32
      %dma_wait3A_13 = tpu.memref_slice %arg6[%arg0, %mul3A_2, %dma_wait3A] : memref<2x10112x128xf32, #tpu.memory_space<hbm>> -> memref<1x632x128xf32, #tpu.memory_space<hbm>>
      %dma_wait3A_14 = tpu.memref_squeeze %dma_wait3A_13 : memref<1x632x128xf32, #tpu.memory_space<hbm>> -> memref<632x128xf32, #tpu.memory_space<hbm>>
      %dma_wait3A_15 = arith.constant 0 : i32
      %dma_wait3A_16 = tpu.memref_slice %arg10[%mul3A_2, %dma_wait3A_15] : memref<10112x128xf32, #tpu.memory_space<vmem_shared>> -> memref<632x128xf32, #tpu.memory_space<vmem_shared>>
      tpu.wait_dma2 semaphore(%run_scoped3A : memref<!tpu.dma_semaphore, #tpu.memory_space<semaphore_mem>>) src(%dma_wait3A_16 : memref<632x128xf32, #tpu.memory_space<vmem_shared>>) dst(%dma_wait3A_14 : memref<632x128xf32, #tpu.memory_space<hbm>>)
      tpu.yield
    }) : () -> ()
    return
  }
}

#map = affine_map<(d0, d1) -> (0, 0)>
#map1 = affine_map<(d0, d1) -> (0)>
#map2 = affine_map<(d0, d1) -> (0, 0, 0)>
module attributes {stable_mosaic.version = 14 : i64} {
  func.func @body(%arg0: i32, %arg1: i32, %arg2: memref<10112x128xf32, #tpu.memory_space<hbm>>, %arg3: memref<323584xi32, #tpu.memory_space<hbm>>, %arg4: memref<323584xi32, #tpu.memory_space<hbm>>, %arg5: memref<10112x128xf32, #tpu.memory_space<hbm>>, %arg6: memref<2x10112x128xf32, #tpu.memory_space<hbm>>, %arg7: memref<128xi32, #tpu.memory_space<vmem>>, %arg8: memref<128xi32, #tpu.memory_space<vmem>>, %arg9: memref<128x128xf32, #tpu.memory_space<vmem>>, %arg10: memref<10112x128xf32, #tpu.memory_space<vmem_shared>>, %arg11: memref<!tpu.dma_semaphore, #tpu.memory_space<semaphore_mem>>) attributes {dimension_semantics = [#tpu.dimension_semantics<core_parallel>, #tpu.dimension_semantics<subcore_parallel>], iteration_bounds = array<i64: 2, 16>, scalar_prefetch = 0 : i64, scratch_operands = 5 : i64, tpu.core_type = #tpu.core_type<sc_vector_subcore>, window_params = [{transform_indices = #map}, {transform_indices = #map1}, {transform_indices = #map1}, {transform_indices = #map}, {transform_indices = #map2}]} {
    %mul3A = arith.constant 2 : i32
    %mul3A_0 = arith.muli %arg1, %mul3A : i32
    %add3A = arith.addi %mul3A_0, %arg0 : i32
    %mul3A_1 = arith.constant 632 : i32
    %mul3A_2 = arith.muli %arg1, %mul3A_1 : i32
    "tpu.region"() ({
      %run_scoped3A = tpu.sem_alloc : memref<!tpu.dma_semaphore, #tpu.memory_space<semaphore_mem>>
      %dma_start3A = arith.constant 0 : i32
      %dma_start3A_9 = tpu.memref_slice %arg10[%mul3A_2, %dma_start3A] : memref<10112x128xf32, #tpu.memory_space<vmem_shared>> -> memref<632x128xf32, #tpu.memory_space<vmem_shared>>
      %dma_start3A_10 = arith.constant 0 : i32
      %dma_start3A_11 = tpu.memref_slice %arg5[%mul3A_2, %dma_start3A_10] : memref<10112x128xf32, #tpu.memory_space<hbm>> -> memref<632x128xf32, #tpu.memory_space<hbm>>
      tpu.enqueue_dma source(%dma_start3A_11 : memref<632x128xf32, #tpu.memory_space<hbm>>) target(%dma_start3A_9 : memref<632x128xf32, #tpu.memory_space<vmem_shared>>) target_semaphore(%run_scoped3A : memref<!tpu.dma_semaphore, #tpu.memory_space<semaphore_mem>>)
      %dma_wait3A = arith.constant 0 : i32
      %dma_wait3A_12 = tpu.memref_slice %arg10[%mul3A_2, %dma_wait3A] : memref<10112x128xf32, #tpu.memory_space<vmem_shared>> -> memref<632x128xf32, #tpu.memory_space<vmem_shared>>
      %dma_wait3A_13 = arith.constant 0 : i32
      %dma_wait3A_14 = tpu.memref_slice %arg5[%mul3A_2, %dma_wait3A_13] : memref<10112x128xf32, #tpu.memory_space<hbm>> -> memref<632x128xf32, #tpu.memory_space<hbm>>
      tpu.wait_dma2 semaphore(%run_scoped3A : memref<!tpu.dma_semaphore, #tpu.memory_space<semaphore_mem>>) src(%dma_wait3A_14 : memref<632x128xf32, #tpu.memory_space<hbm>>) dst(%dma_wait3A_12 : memref<632x128xf32, #tpu.memory_space<vmem_shared>>)
      tpu.yield
    }) : () -> ()
    %barrier3A = arith.constant 0 : index
    tpu.barrier barrier_id(%barrier3A)
    %scan3A = arith.constant 0 : i32
    %scan3A_3 = arith.constant 0 : i32
    %scan3A_4 = arith.constant 79 : i32
    %scan3A_5 = arith.addi %scan3A_3, %scan3A_4 : i32
    %scan3A_6 = arith.constant 1 : i32
    scf.for %scan3A_9 = %scan3A_3 to %scan3A_5 step %scan3A_6  : i32 {
      %mul3A_10 = arith.constant 10112 : i32
      %mul3A_11 = arith.muli %add3A, %mul3A_10 : i32
      %mul3A_12 = arith.constant 128 : i32
      %mul3A_13 = arith.muli %scan3A_9, %mul3A_12 : i32
      %add3A_14 = arith.addi %mul3A_11, %mul3A_13 : i32
      "tpu.region"() ({
        %run_scoped3A = tpu.sem_alloc : memref<!tpu.dma_semaphore, #tpu.memory_space<semaphore_mem>>
        %dma_start3A_42 = tpu.memref_slice %arg3[%add3A_14] : memref<323584xi32, #tpu.memory_space<hbm>> -> memref<128xi32, #tpu.memory_space<hbm>>
        %dma_start3A_43 = tpu.memref_slice %arg3[%add3A_14] : memref<323584xi32, #tpu.memory_space<hbm>> -> memref<128xi32, #tpu.memory_space<hbm>>
        tpu.enqueue_dma source(%dma_start3A_43 : memref<128xi32, #tpu.memory_space<hbm>>) target(%arg7 : memref<128xi32, #tpu.memory_space<vmem>>) target_semaphore(%run_scoped3A : memref<!tpu.dma_semaphore, #tpu.memory_space<semaphore_mem>>)
        %dma_wait3A_44 = tpu.memref_slice %arg3[%add3A_14] : memref<323584xi32, #tpu.memory_space<hbm>> -> memref<128xi32, #tpu.memory_space<hbm>>
        %dma_wait3A_45 = tpu.memref_slice %arg3[%add3A_14] : memref<323584xi32, #tpu.memory_space<hbm>> -> memref<128xi32, #tpu.memory_space<hbm>>
        tpu.wait_dma2 semaphore(%run_scoped3A : memref<!tpu.dma_semaphore, #tpu.memory_space<semaphore_mem>>) src(%dma_wait3A_45 : memref<128xi32, #tpu.memory_space<hbm>>) dst(%arg7 : memref<128xi32, #tpu.memory_space<vmem>>)
        tpu.yield
      }) : () -> ()
      "tpu.region"() ({
        %run_scoped3A = tpu.sem_alloc : memref<!tpu.dma_semaphore, #tpu.memory_space<semaphore_mem>>
        %dma_start3A_42 = tpu.memref_slice %arg4[%add3A_14] : memref<323584xi32, #tpu.memory_space<hbm>> -> memref<128xi32, #tpu.memory_space<hbm>>
        %dma_start3A_43 = tpu.memref_slice %arg4[%add3A_14] : memref<323584xi32, #tpu.memory_space<hbm>> -> memref<128xi32, #tpu.memory_space<hbm>>
        tpu.enqueue_dma source(%dma_start3A_43 : memref<128xi32, #tpu.memory_space<hbm>>) target(%arg8 : memref<128xi32, #tpu.memory_space<vmem>>) target_semaphore(%run_scoped3A : memref<!tpu.dma_semaphore, #tpu.memory_space<semaphore_mem>>)
        %dma_wait3A_44 = tpu.memref_slice %arg4[%add3A_14] : memref<323584xi32, #tpu.memory_space<hbm>> -> memref<128xi32, #tpu.memory_space<hbm>>
        %dma_wait3A_45 = tpu.memref_slice %arg4[%add3A_14] : memref<323584xi32, #tpu.memory_space<hbm>> -> memref<128xi32, #tpu.memory_space<hbm>>
        tpu.wait_dma2 semaphore(%run_scoped3A : memref<!tpu.dma_semaphore, #tpu.memory_space<semaphore_mem>>) src(%dma_wait3A_45 : memref<128xi32, #tpu.memory_space<hbm>>) dst(%arg8 : memref<128xi32, #tpu.memory_space<vmem>>)
        tpu.yield
      }) : () -> ()
      %dma_start3A = arith.constant 0 : i32
      %dma_start3A_15 = arith.constant 0 : i32
      %dma_start3A_16 = tpu.memref_slice %arg2[%dma_start3A, %dma_start3A_15] : memref<10112x128xf32, #tpu.memory_space<hbm>> -> memref<10112x128xf32, #tpu.memory_space<hbm>>
      tpu.enqueue_indirect_dma source(%dma_start3A_16 : memref<10112x128xf32, #tpu.memory_space<hbm>>) target(%arg9 : memref<128x128xf32, #tpu.memory_space<vmem>>) offsets(%arg7 : memref<128xi32, #tpu.memory_space<vmem>>) semaphore(%arg11 : memref<!tpu.dma_semaphore, #tpu.memory_space<semaphore_mem>>)
      %dma_wait3A = arith.constant 0 : i32
      %dma_wait3A_17 = arith.constant 0 : i32
      %dma_wait3A_18 = tpu.memref_slice %arg2[%dma_wait3A, %dma_wait3A_17] : memref<10112x128xf32, #tpu.memory_space<hbm>> -> memref<10112x128xf32, #tpu.memory_space<hbm>>
      tpu.wait_indirect_dma semaphore(%arg11 : memref<!tpu.dma_semaphore, #tpu.memory_space<semaphore_mem>>) src(%dma_wait3A_18 : memref<10112x128xf32, #tpu.memory_space<hbm>>) dst(%arg9 : memref<128x128xf32, #tpu.memory_space<vmem>>)
      %get3A = arith.constant 0 : index
      %get3A_19 = tpu.vector_load %arg8[%get3A] {strides = array<i32>} : memref<128xi32, #tpu.memory_space<vmem>>, vector<16xi32>,
      %get3A_20 = vector.shape_cast %get3A_19 : vector<16xi32> to vector<16xi32>
      "tpu.region"() ({
        %run_scoped3A = tpu.sem_alloc : memref<!tpu.dma_semaphore, #tpu.memory_space<semaphore_mem>>
        %dma_start3A_42 = arith.constant 0 : i32
        %dma_start3A_43 = arith.constant 0 : i32
        %dma_start3A_44 = tpu.memref_slice %arg9[%dma_start3A_42, %dma_start3A_43] : memref<128x128xf32, #tpu.memory_space<vmem>> -> memref<16x128xf32, #tpu.memory_space<vmem>>
        %dma_start3A_45 = arith.constant 0 : i32
        %dma_start3A_46 = arith.constant 0 : i32
        %dma_start3A_47 = tpu.memref_slice %arg10[%dma_start3A_45, %dma_start3A_46] : memref<10112x128xf32, #tpu.memory_space<vmem_shared>> -> memref<10112x128xf32, #tpu.memory_space<vmem_shared>>
        tpu.enqueue_indirect_dma source(%dma_start3A_44 : memref<16x128xf32, #tpu.memory_space<vmem>>) target(%dma_start3A_47 : memref<10112x128xf32, #tpu.memory_space<vmem_shared>>) offsets(%get3A_20 : vector<16xi32>) semaphore(%run_scoped3A : memref<!tpu.dma_semaphore, #tpu.memory_space<semaphore_mem>>) {add = true}
        %dma_wait3A_48 = arith.constant 0 : i32
        %dma_wait3A_49 = arith.constant 0 : i32
        %dma_wait3A_50 = tpu.memref_slice %arg9[%dma_wait3A_48, %dma_wait3A_49] : memref<128x128xf32, #tpu.memory_space<vmem>> -> memref<16x128xf32, #tpu.memory_space<vmem>>
        %dma_wait3A_51 = arith.constant 0 : i32
        %dma_wait3A_52 = arith.constant 0 : i32
        %dma_wait3A_53 = tpu.memref_slice %arg10[%dma_wait3A_51, %dma_wait3A_52] : memref<10112x128xf32, #tpu.memory_space<vmem_shared>> -> memref<10112x128xf32, #tpu.memory_space<vmem_shared>>
        tpu.wait_indirect_dma semaphore(%run_scoped3A : memref<!tpu.dma_semaphore, #tpu.memory_space<semaphore_mem>>) src(%dma_wait3A_50 : memref<16x128xf32, #tpu.memory_space<vmem>>) dst(%dma_wait3A_53 : memref<10112x128xf32, #tpu.memory_space<vmem_shared>>)
        tpu.yield
      }) : () -> ()
      %get3A_21 = arith.constant 16 : index
      %get3A_22 = tpu.vector_load %arg8[%get3A_21] {strides = array<i32>} : memref<128xi32, #tpu.memory_space<vmem>>, vector<16xi32>,
      %get3A_23 = vector.shape_cast %get3A_22 : vector<16xi32> to vector<16xi32>
      "tpu.region"() ({
        %run_scoped3A = tpu.sem_alloc : memref<!tpu.dma_semaphore, #tpu.memory_space<semaphore_mem>>
        %dma_start3A_42 = arith.constant 16 : i32
        %dma_start3A_43 = arith.constant 0 : i32
        %dma_start3A_44 = tpu.memref_slice %arg9[%dma_start3A_42, %dma_start3A_43] : memref<128x128xf32, #tpu.memory_space<vmem>> -> memref<16x128xf32, #tpu.memory_space<vmem>>
        %dma_start3A_45 = arith.constant 0 : i32
        %dma_start3A_46 = arith.constant 0 : i32
        %dma_start3A_47 = tpu.memref_slice %arg10[%dma_start3A_45, %dma_start3A_46] : memref<10112x128xf32, #tpu.memory_space<vmem_shared>> -> memref<10112x128xf32, #tpu.memory_space<vmem_shared>>
        tpu.enqueue_indirect_dma source(%dma_start3A_44 : memref<16x128xf32, #tpu.memory_space<vmem>>) target(%dma_start3A_47 : memref<10112x128xf32, #tpu.memory_space<vmem_shared>>) offsets(%get3A_23 : vector<16xi32>) semaphore(%run_scoped3A : memref<!tpu.dma_semaphore, #tpu.memory_space<semaphore_mem>>) {add = true}
        %dma_wait3A_48 = arith.constant 16 : i32
        %dma_wait3A_49 = arith.constant 0 : i32
        %dma_wait3A_50 = tpu.memref_slice %arg9[%dma_wait3A_48, %dma_wait3A_49] : memref<128x128xf32, #tpu.memory_space<vmem>> -> memref<16x128xf32, #tpu.memory_space<vmem>>
        %dma_wait3A_51 = arith.constant 0 : i32
        %dma_wait3A_52 = arith.constant 0 : i32
        %dma_wait3A_53 = tpu.memref_slice %arg10[%dma_wait3A_51, %dma_wait3A_52] : memref<10112x128xf32, #tpu.memory_space<vmem_shared>> -> memref<10112x128xf32, #tpu.memory_space<vmem_shared>>
        tpu.wait_indirect_dma semaphore(%run_scoped3A : memref<!tpu.dma_semaphore, #tpu.memory_space<semaphore_mem>>) src(%dma_wait3A_50 : memref<16x128xf32, #tpu.memory_space<vmem>>) dst(%dma_wait3A_53 : memref<10112x128xf32, #tpu.memory_space<vmem_shared>>)
        tpu.yield
      }) : () -> ()
      %get3A_24 = arith.constant 32 : index
      %get3A_25 = tpu.vector_load %arg8[%get3A_24] {strides = array<i32>} : memref<128xi32, #tpu.memory_space<vmem>>, vector<16xi32>,
      %get3A_26 = vector.shape_cast %get3A_25 : vector<16xi32> to vector<16xi32>
      "tpu.region"() ({
        %run_scoped3A = tpu.sem_alloc : memref<!tpu.dma_semaphore, #tpu.memory_space<semaphore_mem>>
        %dma_start3A_42 = arith.constant 32 : i32
        %dma_start3A_43 = arith.constant 0 : i32
        %dma_start3A_44 = tpu.memref_slice %arg9[%dma_start3A_42, %dma_start3A_43] : memref<128x128xf32, #tpu.memory_space<vmem>> -> memref<16x128xf32, #tpu.memory_space<vmem>>
        %dma_start3A_45 = arith.constant 0 : i32
        %dma_start3A_46 = arith.constant 0 : i32
        %dma_start3A_47 = tpu.memref_slice %arg10[%dma_start3A_45, %dma_start3A_46] : memref<10112x128xf32, #tpu.memory_space<vmem_shared>> -> memref<10112x128xf32, #tpu.memory_space<vmem_shared>>
        tpu.enqueue_indirect_dma source(%dma_start3A_44 : memref<16x128xf32, #tpu.memory_space<vmem>>) target(%dma_start3A_47 : memref<10112x128xf32, #tpu.memory_space<vmem_shared>>) offsets(%get3A_26 : vector<16xi32>) semaphore(%run_scoped3A : memref<!tpu.dma_semaphore, #tpu.memory_space<semaphore_mem>>) {add = true}
        %dma_wait3A_48 = arith.constant 32 : i32
        %dma_wait3A_49 = arith.constant 0 : i32
        %dma_wait3A_50 = tpu.memref_slice %arg9[%dma_wait3A_48, %dma_wait3A_49] : memref<128x128xf32, #tpu.memory_space<vmem>> -> memref<16x128xf32, #tpu.memory_space<vmem>>
        %dma_wait3A_51 = arith.constant 0 : i32
        %dma_wait3A_52 = arith.constant 0 : i32
        %dma_wait3A_53 = tpu.memref_slice %arg10[%dma_wait3A_51, %dma_wait3A_52] : memref<10112x128xf32, #tpu.memory_space<vmem_shared>> -> memref<10112x128xf32, #tpu.memory_space<vmem_shared>>
        tpu.wait_indirect_dma semaphore(%run_scoped3A : memref<!tpu.dma_semaphore, #tpu.memory_space<semaphore_mem>>) src(%dma_wait3A_50 : memref<16x128xf32, #tpu.memory_space<vmem>>) dst(%dma_wait3A_53 : memref<10112x128xf32, #tpu.memory_space<vmem_shared>>)
        tpu.yield
      }) : () -> ()
      %get3A_27 = arith.constant 48 : index
      %get3A_28 = tpu.vector_load %arg8[%get3A_27] {strides = array<i32>} : memref<128xi32, #tpu.memory_space<vmem>>, vector<16xi32>,
      %get3A_29 = vector.shape_cast %get3A_28 : vector<16xi32> to vector<16xi32>
      "tpu.region"() ({
        %run_scoped3A = tpu.sem_alloc : memref<!tpu.dma_semaphore, #tpu.memory_space<semaphore_mem>>
        %dma_start3A_42 = arith.constant 48 : i32
        %dma_start3A_43 = arith.constant 0 : i32
        %dma_start3A_44 = tpu.memref_slice %arg9[%dma_start3A_42, %dma_start3A_43] : memref<128x128xf32, #tpu.memory_space<vmem>> -> memref<16x128xf32, #tpu.memory_space<vmem>>
        %dma_start3A_45 = arith.constant 0 : i32
        %dma_start3A_46 = arith.constant 0 : i32
        %dma_start3A_47 = tpu.memref_slice %arg10[%dma_start3A_45, %dma_start3A_46] : memref<10112x128xf32, #tpu.memory_space<vmem_shared>> -> memref<10112x128xf32, #tpu.memory_space<vmem_shared>>
        tpu.enqueue_indirect_dma source(%dma_start3A_44 : memref<16x128xf32, #tpu.memory_space<vmem>>) target(%dma_start3A_47 : memref<10112x128xf32, #tpu.memory_space<vmem_shared>>) offsets(%get3A_29 : vector<16xi32>) semaphore(%run_scoped3A : memref<!tpu.dma_semaphore, #tpu.memory_space<semaphore_mem>>) {add = true}
        %dma_wait3A_48 = arith.constant 48 : i32
        %dma_wait3A_49 = arith.constant 0 : i32
        %dma_wait3A_50 = tpu.memref_slice %arg9[%dma_wait3A_48, %dma_wait3A_49] : memref<128x128xf32, #tpu.memory_space<vmem>> -> memref<16x128xf32, #tpu.memory_space<vmem>>
        %dma_wait3A_51 = arith.constant 0 : i32
        %dma_wait3A_52 = arith.constant 0 : i32
        %dma_wait3A_53 = tpu.memref_slice %arg10[%dma_wait3A_51, %dma_wait3A_52] : memref<10112x128xf32, #tpu.memory_space<vmem_shared>> -> memref<10112x128xf32, #tpu.memory_space<vmem_shared>>
        tpu.wait_indirect_dma semaphore(%run_scoped3A : memref<!tpu.dma_semaphore, #tpu.memory_space<semaphore_mem>>) src(%dma_wait3A_50 : memref<16x128xf32, #tpu.memory_space<vmem>>) dst(%dma_wait3A_53 : memref<10112x128xf32, #tpu.memory_space<vmem_shared>>)
        tpu.yield
      }) : () -> ()
      %get3A_30 = arith.constant 64 : index
      %get3A_31 = tpu.vector_load %arg8[%get3A_30] {strides = array<i32>} : memref<128xi32, #tpu.memory_space<vmem>>, vector<16xi32>,
      %get3A_32 = vector.shape_cast %get3A_31 : vector<16xi32> to vector<16xi32>
      "tpu.region"() ({
        %run_scoped3A = tpu.sem_alloc : memref<!tpu.dma_semaphore, #tpu.memory_space<semaphore_mem>>
        %dma_start3A_42 = arith.constant 64 : i32
        %dma_start3A_43 = arith.constant 0 : i32
        %dma_start3A_44 = tpu.memref_slice %arg9[%dma_start3A_42, %dma_start3A_43] : memref<128x128xf32, #tpu.memory_space<vmem>> -> memref<16x128xf32, #tpu.memory_space<vmem>>
        %dma_start3A_45 = arith.constant 0 : i32
        %dma_start3A_46 = arith.constant 0 : i32
        %dma_start3A_47 = tpu.memref_slice %arg10[%dma_start3A_45, %dma_start3A_46] : memref<10112x128xf32, #tpu.memory_space<vmem_shared>> -> memref<10112x128xf32, #tpu.memory_space<vmem_shared>>
        tpu.enqueue_indirect_dma source(%dma_start3A_44 : memref<16x128xf32, #tpu.memory_space<vmem>>) target(%dma_start3A_47 : memref<10112x128xf32, #tpu.memory_space<vmem_shared>>) offsets(%get3A_32 : vector<16xi32>) semaphore(%run_scoped3A : memref<!tpu.dma_semaphore, #tpu.memory_space<semaphore_mem>>) {add = true}
        %dma_wait3A_48 = arith.constant 64 : i32
        %dma_wait3A_49 = arith.constant 0 : i32
        %dma_wait3A_50 = tpu.memref_slice %arg9[%dma_wait3A_48, %dma_wait3A_49] : memref<128x128xf32, #tpu.memory_space<vmem>> -> memref<16x128xf32, #tpu.memory_space<vmem>>
        %dma_wait3A_51 = arith.constant 0 : i32
        %dma_wait3A_52 = arith.constant 0 : i32
        %dma_wait3A_53 = tpu.memref_slice %arg10[%dma_wait3A_51, %dma_wait3A_52] : memref<10112x128xf32, #tpu.memory_space<vmem_shared>> -> memref<10112x128xf32, #tpu.memory_space<vmem_shared>>
        tpu.wait_indirect_dma semaphore(%run_scoped3A : memref<!tpu.dma_semaphore, #tpu.memory_space<semaphore_mem>>) src(%dma_wait3A_50 : memref<16x128xf32, #tpu.memory_space<vmem>>) dst(%dma_wait3A_53 : memref<10112x128xf32, #tpu.memory_space<vmem_shared>>)
        tpu.yield
      }) : () -> ()
      %get3A_33 = arith.constant 80 : index
      %get3A_34 = tpu.vector_load %arg8[%get3A_33] {strides = array<i32>} : memref<128xi32, #tpu.memory_space<vmem>>, vector<16xi32>,
      %get3A_35 = vector.shape_cast %get3A_34 : vector<16xi32> to vector<16xi32>
      "tpu.region"() ({
        %run_scoped3A = tpu.sem_alloc : memref<!tpu.dma_semaphore, #tpu.memory_space<semaphore_mem>>
        %dma_start3A_42 = arith.constant 80 : i32
        %dma_start3A_43 = arith.constant 0 : i32
        %dma_start3A_44 = tpu.memref_slice %arg9[%dma_start3A_42, %dma_start3A_43] : memref<128x128xf32, #tpu.memory_space<vmem>> -> memref<16x128xf32, #tpu.memory_space<vmem>>
        %dma_start3A_45 = arith.constant 0 : i32
        %dma_start3A_46 = arith.constant 0 : i32
        %dma_start3A_47 = tpu.memref_slice %arg10[%dma_start3A_45, %dma_start3A_46] : memref<10112x128xf32, #tpu.memory_space<vmem_shared>> -> memref<10112x128xf32, #tpu.memory_space<vmem_shared>>
        tpu.enqueue_indirect_dma source(%dma_start3A_44 : memref<16x128xf32, #tpu.memory_space<vmem>>) target(%dma_start3A_47 : memref<10112x128xf32, #tpu.memory_space<vmem_shared>>) offsets(%get3A_35 : vector<16xi32>) semaphore(%run_scoped3A : memref<!tpu.dma_semaphore, #tpu.memory_space<semaphore_mem>>) {add = true}
        %dma_wait3A_48 = arith.constant 80 : i32
        %dma_wait3A_49 = arith.constant 0 : i32
        %dma_wait3A_50 = tpu.memref_slice %arg9[%dma_wait3A_48, %dma_wait3A_49] : memref<128x128xf32, #tpu.memory_space<vmem>> -> memref<16x128xf32, #tpu.memory_space<vmem>>
        %dma_wait3A_51 = arith.constant 0 : i32
        %dma_wait3A_52 = arith.constant 0 : i32
        %dma_wait3A_53 = tpu.memref_slice %arg10[%dma_wait3A_51, %dma_wait3A_52] : memref<10112x128xf32, #tpu.memory_space<vmem_shared>> -> memref<10112x128xf32, #tpu.memory_space<vmem_shared>>
        tpu.wait_indirect_dma semaphore(%run_scoped3A : memref<!tpu.dma_semaphore, #tpu.memory_space<semaphore_mem>>) src(%dma_wait3A_50 : memref<16x128xf32, #tpu.memory_space<vmem>>) dst(%dma_wait3A_53 : memref<10112x128xf32, #tpu.memory_space<vmem_shared>>)
        tpu.yield
      }) : () -> ()
      %get3A_36 = arith.constant 96 : index
      %get3A_37 = tpu.vector_load %arg8[%get3A_36] {strides = array<i32>} : memref<128xi32, #tpu.memory_space<vmem>>, vector<16xi32>,
      %get3A_38 = vector.shape_cast %get3A_37 : vector<16xi32> to vector<16xi32>
      "tpu.region"() ({
        %run_scoped3A = tpu.sem_alloc : memref<!tpu.dma_semaphore, #tpu.memory_space<semaphore_mem>>
        %dma_start3A_42 = arith.constant 96 : i32
        %dma_start3A_43 = arith.constant 0 : i32
        %dma_start3A_44 = tpu.memref_slice %arg9[%dma_start3A_42, %dma_start3A_43] : memref<128x128xf32, #tpu.memory_space<vmem>> -> memref<16x128xf32, #tpu.memory_space<vmem>>
        %dma_start3A_45 = arith.constant 0 : i32
        %dma_start3A_46 = arith.constant 0 : i32
        %dma_start3A_47 = tpu.memref_slice %arg10[%dma_start3A_45, %dma_start3A_46] : memref<10112x128xf32, #tpu.memory_space<vmem_shared>> -> memref<10112x128xf32, #tpu.memory_space<vmem_shared>>
        tpu.enqueue_indirect_dma source(%dma_start3A_44 : memref<16x128xf32, #tpu.memory_space<vmem>>) target(%dma_start3A_47 : memref<10112x128xf32, #tpu.memory_space<vmem_shared>>) offsets(%get3A_38 : vector<16xi32>) semaphore(%run_scoped3A : memref<!tpu.dma_semaphore, #tpu.memory_space<semaphore_mem>>) {add = true}
        %dma_wait3A_48 = arith.constant 96 : i32
        %dma_wait3A_49 = arith.constant 0 : i32
        %dma_wait3A_50 = tpu.memref_slice %arg9[%dma_wait3A_48, %dma_wait3A_49] : memref<128x128xf32, #tpu.memory_space<vmem>> -> memref<16x128xf32, #tpu.memory_space<vmem>>
        %dma_wait3A_51 = arith.constant 0 : i32
        %dma_wait3A_52 = arith.constant 0 : i32
        %dma_wait3A_53 = tpu.memref_slice %arg10[%dma_wait3A_51, %dma_wait3A_52] : memref<10112x128xf32, #tpu.memory_space<vmem_shared>> -> memref<10112x128xf32, #tpu.memory_space<vmem_shared>>
        tpu.wait_indirect_dma semaphore(%run_scoped3A : memref<!tpu.dma_semaphore, #tpu.memory_space<semaphore_mem>>) src(%dma_wait3A_50 : memref<16x128xf32, #tpu.memory_space<vmem>>) dst(%dma_wait3A_53 : memref<10112x128xf32, #tpu.memory_space<vmem_shared>>)
        tpu.yield
      }) : () -> ()
      %get3A_39 = arith.constant 112 : index
      %get3A_40 = tpu.vector_load %arg8[%get3A_39] {strides = array<i32>} : memref<128xi32, #tpu.memory_space<vmem>>, vector<16xi32>,
      %get3A_41 = vector.shape_cast %get3A_40 : vector<16xi32> to vector<16xi32>
      "tpu.region"() ({
        %run_scoped3A = tpu.sem_alloc : memref<!tpu.dma_semaphore, #tpu.memory_space<semaphore_mem>>
        %dma_start3A_42 = arith.constant 112 : i32
        %dma_start3A_43 = arith.constant 0 : i32
        %dma_start3A_44 = tpu.memref_slice %arg9[%dma_start3A_42, %dma_start3A_43] : memref<128x128xf32, #tpu.memory_space<vmem>> -> memref<16x128xf32, #tpu.memory_space<vmem>>
        %dma_start3A_45 = arith.constant 0 : i32
        %dma_start3A_46 = arith.constant 0 : i32
        %dma_start3A_47 = tpu.memref_slice %arg10[%dma_start3A_45, %dma_start3A_46] : memref<10112x128xf32, #tpu.memory_space<vmem_shared>> -> memref<10112x128xf32, #tpu.memory_space<vmem_shared>>
        tpu.enqueue_indirect_dma source(%dma_start3A_44 : memref<16x128xf32, #tpu.memory_space<vmem>>) target(%dma_start3A_47 : memref<10112x128xf32, #tpu.memory_space<vmem_shared>>) offsets(%get3A_41 : vector<16xi32>) semaphore(%run_scoped3A : memref<!tpu.dma_semaphore, #tpu.memory_space<semaphore_mem>>) {add = true}
        %dma_wait3A_48 = arith.constant 112 : i32
        %dma_wait3A_49 = arith.constant 0 : i32
        %dma_wait3A_50 = tpu.memref_slice %arg9[%dma_wait3A_48, %dma_wait3A_49] : memref<128x128xf32, #tpu.memory_space<vmem>> -> memref<16x128xf32, #tpu.memory_space<vmem>>
        %dma_wait3A_51 = arith.constant 0 : i32
        %dma_wait3A_52 = arith.constant 0 : i32
        %dma_wait3A_53 = tpu.memref_slice %arg10[%dma_wait3A_51, %dma_wait3A_52] : memref<10112x128xf32, #tpu.memory_space<vmem_shared>> -> memref<10112x128xf32, #tpu.memory_space<vmem_shared>>
        tpu.wait_indirect_dma semaphore(%run_scoped3A : memref<!tpu.dma_semaphore, #tpu.memory_space<semaphore_mem>>) src(%dma_wait3A_50 : memref<16x128xf32, #tpu.memory_space<vmem>>) dst(%dma_wait3A_53 : memref<10112x128xf32, #tpu.memory_space<vmem_shared>>)
        tpu.yield
      }) : () -> ()
    }
    %scan3A_7 = arith.constant 79 : i32
    %barrier3A_8 = arith.constant 0 : index
    tpu.barrier barrier_id(%barrier3A_8)
    "tpu.region"() ({
      %run_scoped3A = tpu.sem_alloc : memref<!tpu.dma_semaphore, #tpu.memory_space<semaphore_mem>>
      %dma_start3A = arith.constant 0 : i32
      %dma_start3A_9 = tpu.memref_slice %arg6[%arg0, %mul3A_2, %dma_start3A] : memref<2x10112x128xf32, #tpu.memory_space<hbm>> -> memref<1x632x128xf32, #tpu.memory_space<hbm>>
      %dma_start3A_10 = tpu.memref_squeeze %dma_start3A_9 : memref<1x632x128xf32, #tpu.memory_space<hbm>> -> memref<632x128xf32, #tpu.memory_space<hbm>>
      %dma_start3A_11 = arith.constant 0 : i32
      %dma_start3A_12 = tpu.memref_slice %arg10[%mul3A_2, %dma_start3A_11] : memref<10112x128xf32, #tpu.memory_space<vmem_shared>> -> memref<632x128xf32, #tpu.memory_space<vmem_shared>>
      tpu.enqueue_dma source(%dma_start3A_12 : memref<632x128xf32, #tpu.memory_space<vmem_shared>>) target(%dma_start3A_10 : memref<632x128xf32, #tpu.memory_space<hbm>>) target_semaphore(%run_scoped3A : memref<!tpu.dma_semaphore, #tpu.memory_space<semaphore_mem>>)
      %dma_wait3A = arith.constant 0 : i32
      %dma_wait3A_13 = tpu.memref_slice %arg6[%arg0, %mul3A_2, %dma_wait3A] : memref<2x10112x128xf32, #tpu.memory_space<hbm>> -> memref<1x632x128xf32, #tpu.memory_space<hbm>>
      %dma_wait3A_14 = tpu.memref_squeeze %dma_wait3A_13 : memref<1x632x128xf32, #tpu.memory_space<hbm>> -> memref<632x128xf32, #tpu.memory_space<hbm>>
      %dma_wait3A_15 = arith.constant 0 : i32
      %dma_wait3A_16 = tpu.memref_slice %arg10[%mul3A_2, %dma_wait3A_15] : memref<10112x128xf32, #tpu.memory_space<vmem_shared>> -> memref<632x128xf32, #tpu.memory_space<vmem_shared>>
      tpu.wait_dma2 semaphore(%run_scoped3A : memref<!tpu.dma_semaphore, #tpu.memory_space<semaphore_mem>>) src(%dma_wait3A_16 : memref<632x128xf32, #tpu.memory_space<vmem_shared>>) dst(%dma_wait3A_14 : memref<632x128xf32, #tpu.memory_space<hbm>>)
      tpu.yield
    }) : () -> ()
    return
  }
}

module attributes {stable_mosaic.version = 14 : i64} {
  func.func @_mm0_body(%arg0: memref<10112x128xf32, #tpu.memory_space<vmem>>, %arg1: memref<128x128xf32, #tpu.memory_space<vmem>>, %arg2: memref<2x10112x128xf32, #tpu.memory_space<vmem>>, %arg3: memref<10112x128xf32, #tpu.memory_space<vmem>>) attributes {dimension_semantics = [], scalar_prefetch = 0 : i64, scratch_operands = 0 : i64, tpu.core_type = #tpu.core_type<tc>} {
    %get3A = arith.constant 0 : index
    %get3A_0 = arith.constant 0 : index
    %get3A_1 = vector.load %arg0[%get3A, %get3A_0] : memref<10112x128xf32, #tpu.memory_space<vmem>>, vector<10112x128xf32>
    %get3A_2 = arith.constant 0 : index
    %get3A_3 = arith.constant 0 : index
    %get3A_4 = vector.load %arg1[%get3A_2, %get3A_3] : memref<128x128xf32, #tpu.memory_space<vmem>>, vector<128x128xf32>
    %dot_general3A = arith.constant dense<0.000000e+00> : vector<10112x128xf32>
    %dot_general3A_5 = tpu.matmul %get3A_1, %get3A_4, %dot_general3A {dimension_numbers = #tpu.dot_dimension_numbers<[1], [0], [0], [1], [0, 0, 1, 1], [], []>, transpose_lhs_hint = false} : vector<10112x128xf32>, vector<128x128xf32>, vector<10112x128xf32> -> vector<10112x128xf32>
    %get3A_6 = arith.constant 0 : index
    %get3A_7 = arith.constant 0 : index
    %get3A_8 = arith.constant 0 : index
    %get3A_9 = vector.load %arg2[%get3A_6, %get3A_7, %get3A_8] : memref<2x10112x128xf32, #tpu.memory_space<vmem>>, vector<1x10112x1xf32>
    %get3A_10 = vector.shape_cast %get3A_9 : vector<1x10112x1xf32> to vector<10112x1xf32>
    %get3A_11 = arith.constant 1 : index
    %get3A_12 = arith.constant 0 : index
    %get3A_13 = arith.constant 0 : index
    %get3A_14 = vector.load %arg2[%get3A_11, %get3A_12, %get3A_13] : memref<2x10112x128xf32, #tpu.memory_space<vmem>>, vector<1x10112x1xf32>
    %get3A_15 = vector.shape_cast %get3A_14 : vector<1x10112x1xf32> to vector<10112x1xf32>
    %add3A = arith.addf %get3A_10, %get3A_15 : vector<10112x1xf32>
    %add3A_16 = arith.constant 1.000000e+00 : f32
    %add3A_17 = vector.broadcast %add3A_16 : f32 to vector<10112x1xf32>
    %add3A_18 = arith.addf %add3A, %add3A_17 : vector<10112x1xf32>
    %rsqrt3A = math.rsqrt %add3A_18 : vector<10112x1xf32>
    %mul3A = vector.broadcast %rsqrt3A : vector<10112x1xf32> to vector<10112x128xf32>
    %mul3A_19 = arith.mulf %dot_general3A_5, %mul3A : vector<10112x128xf32>
    %swap3A = arith.constant 0 : index
    %swap3A_20 = arith.constant 0 : index
    %swap3A_21 = vector.load %arg3[%swap3A, %swap3A_20] : memref<10112x128xf32, #tpu.memory_space<vmem>>, vector<10112x128xf32>
    tpu.vector_store %arg3[%swap3A, %swap3A_20], %mul3A_19 {strides = array<i32>} : memref<10112x128xf32, #tpu.memory_space<vmem>>, vector<10112x128xf32>,
    return
  }
}

module attributes {stable_mosaic.version = 14 : i64} {
  func.func @_mid_body(%arg0: memref<2x10112x128xf32, #tpu.memory_space<vmem>>, %arg1: memref<10112x128xf32, #tpu.memory_space<vmem>>, %arg2: memref<128x128xf32, #tpu.memory_space<vmem>>, %arg3: memref<2x10112x128xf32, #tpu.memory_space<vmem>>, %arg4: memref<10112x128xf32, #tpu.memory_space<vmem>>) attributes {dimension_semantics = [], scalar_prefetch = 0 : i64, scratch_operands = 0 : i64, tpu.core_type = #tpu.core_type<tc>} {
    %get3A = arith.constant 0 : index
    %get3A_0 = arith.constant 0 : index
    %get3A_1 = arith.constant 0 : index
    %get3A_2 = vector.load %arg3[%get3A, %get3A_0, %get3A_1] : memref<2x10112x128xf32, #tpu.memory_space<vmem>>, vector<1x10112x1xf32>
    %get3A_3 = vector.shape_cast %get3A_2 : vector<1x10112x1xf32> to vector<10112x1xf32>
    %get3A_4 = arith.constant 1 : index
    %get3A_5 = arith.constant 0 : index
    %get3A_6 = arith.constant 0 : index
    %get3A_7 = vector.load %arg3[%get3A_4, %get3A_5, %get3A_6] : memref<2x10112x128xf32, #tpu.memory_space<vmem>>, vector<1x10112x1xf32>
    %get3A_8 = vector.shape_cast %get3A_7 : vector<1x10112x1xf32> to vector<10112x1xf32>
    %add3A = arith.addf %get3A_3, %get3A_8 : vector<10112x1xf32>
    %add3A_9 = arith.constant 1.000000e+00 : f32
    %add3A_10 = vector.broadcast %add3A_9 : f32 to vector<10112x1xf32>
    %add3A_11 = arith.addf %add3A, %add3A_10 : vector<10112x1xf32>
    %rsqrt3A = math.rsqrt %add3A_11 : vector<10112x1xf32>
    %get3A_12 = arith.constant 0 : index
    %get3A_13 = arith.constant 0 : index
    %get3A_14 = arith.constant 0 : index
    %get3A_15 = vector.load %arg0[%get3A_12, %get3A_13, %get3A_14] : memref<2x10112x128xf32, #tpu.memory_space<vmem>>, vector<1x10112x128xf32>
    %get3A_16 = vector.shape_cast %get3A_15 : vector<1x10112x128xf32> to vector<10112x128xf32>
    %get3A_17 = arith.constant 1 : index
    %get3A_18 = arith.constant 0 : index
    %get3A_19 = arith.constant 0 : index
    %get3A_20 = vector.load %arg0[%get3A_17, %get3A_18, %get3A_19] : memref<2x10112x128xf32, #tpu.memory_space<vmem>>, vector<1x10112x128xf32>
    %get3A_21 = vector.shape_cast %get3A_20 : vector<1x10112x128xf32> to vector<10112x128xf32>
    %add3A_22 = arith.addf %get3A_16, %get3A_21 : vector<10112x128xf32>
    %get3A_23 = arith.constant 0 : index
    %get3A_24 = arith.constant 0 : index
    %get3A_25 = vector.load %arg1[%get3A_23, %get3A_24] : memref<10112x128xf32, #tpu.memory_space<vmem>>, vector<10112x128xf32>
    %add3A_26 = arith.addf %add3A_22, %get3A_25 : vector<10112x128xf32>
    %mul3A = vector.broadcast %rsqrt3A : vector<10112x1xf32> to vector<10112x128xf32>
    %mul3A_27 = arith.mulf %add3A_26, %mul3A : vector<10112x128xf32>
    %max3A = arith.constant 0.000000e+00 : f32
    %max3A_28 = vector.broadcast %max3A : f32 to vector<10112x128xf32>
    %max3A_29 = arith.maximumf %mul3A_27, %max3A_28 : vector<10112x128xf32>
    %get3A_30 = arith.constant 0 : index
    %get3A_31 = arith.constant 0 : index
    %get3A_32 = vector.load %arg2[%get3A_30, %get3A_31] : memref<128x128xf32, #tpu.memory_space<vmem>>, vector<128x128xf32>
    %dot_general3A = arith.constant dense<0.000000e+00> : vector<10112x128xf32>
    %dot_general3A_33 = tpu.matmul %max3A_29, %get3A_32, %dot_general3A {dimension_numbers = #tpu.dot_dimension_numbers<[1], [0], [0], [1], [0, 0, 1, 1], [], []>, transpose_lhs_hint = false} : vector<10112x128xf32>, vector<128x128xf32>, vector<10112x128xf32> -> vector<10112x128xf32>
    %mul3A_34 = vector.broadcast %rsqrt3A : vector<10112x1xf32> to vector<10112x128xf32>
    %mul3A_35 = arith.mulf %dot_general3A_33, %mul3A_34 : vector<10112x128xf32>
    %swap3A = arith.constant 0 : index
    %swap3A_36 = arith.constant 0 : index
    %swap3A_37 = vector.load %arg4[%swap3A, %swap3A_36] : memref<10112x128xf32, #tpu.memory_space<vmem>>, vector<10112x128xf32>
    tpu.vector_store %arg4[%swap3A, %swap3A_36], %mul3A_35 {strides = array<i32>} : memref<10112x128xf32, #tpu.memory_space<vmem>>, vector<10112x128xf32>,
    return
  }
}

module attributes {stable_mosaic.version = 14 : i64} {
  func.func @_fin_body(%arg0: memref<2x10112x128xf32, #tpu.memory_space<vmem>>, %arg1: memref<10112x128xf32, #tpu.memory_space<vmem>>, %arg2: memref<2x10112x128xf32, #tpu.memory_space<vmem>>, %arg3: memref<10112x32xf32, #tpu.memory_space<vmem>>) attributes {dimension_semantics = [], scalar_prefetch = 0 : i64, scratch_operands = 0 : i64, tpu.core_type = #tpu.core_type<tc>} {
    %get3A = arith.constant 0 : index
    %get3A_0 = arith.constant 0 : index
    %get3A_1 = arith.constant 0 : index
    %get3A_2 = vector.load %arg2[%get3A, %get3A_0, %get3A_1] : memref<2x10112x128xf32, #tpu.memory_space<vmem>>, vector<1x10112x1xf32>
    %get3A_3 = vector.shape_cast %get3A_2 : vector<1x10112x1xf32> to vector<10112x1xf32>
    %get3A_4 = arith.constant 1 : index
    %get3A_5 = arith.constant 0 : index
    %get3A_6 = arith.constant 0 : index
    %get3A_7 = vector.load %arg2[%get3A_4, %get3A_5, %get3A_6] : memref<2x10112x128xf32, #tpu.memory_space<vmem>>, vector<1x10112x1xf32>
    %get3A_8 = vector.shape_cast %get3A_7 : vector<1x10112x1xf32> to vector<10112x1xf32>
    %add3A = arith.addf %get3A_3, %get3A_8 : vector<10112x1xf32>
    %add3A_9 = arith.constant 1.000000e+00 : f32
    %add3A_10 = vector.broadcast %add3A_9 : f32 to vector<10112x1xf32>
    %add3A_11 = arith.addf %add3A, %add3A_10 : vector<10112x1xf32>
    %rsqrt3A = math.rsqrt %add3A_11 : vector<10112x1xf32>
    %get3A_12 = arith.constant 0 : index
    %get3A_13 = arith.constant 0 : index
    %get3A_14 = arith.constant 0 : index
    %get3A_15 = vector.load %arg0[%get3A_12, %get3A_13, %get3A_14] : memref<2x10112x128xf32, #tpu.memory_space<vmem>>, vector<1x10112x32xf32>
    %get3A_16 = vector.shape_cast %get3A_15 : vector<1x10112x32xf32> to vector<10112x32xf32>
    %get3A_17 = arith.constant 1 : index
    %get3A_18 = arith.constant 0 : index
    %get3A_19 = arith.constant 0 : index
    %get3A_20 = vector.load %arg0[%get3A_17, %get3A_18, %get3A_19] : memref<2x10112x128xf32, #tpu.memory_space<vmem>>, vector<1x10112x32xf32>
    %get3A_21 = vector.shape_cast %get3A_20 : vector<1x10112x32xf32> to vector<10112x32xf32>
    %add3A_22 = arith.addf %get3A_16, %get3A_21 : vector<10112x32xf32>
    %get3A_23 = arith.constant 0 : index
    %get3A_24 = arith.constant 0 : index
    %get3A_25 = vector.load %arg1[%get3A_23, %get3A_24] : memref<10112x128xf32, #tpu.memory_space<vmem>>, vector<10112x32xf32>
    %add3A_26 = arith.addf %add3A_22, %get3A_25 : vector<10112x32xf32>
    %mul3A = vector.broadcast %rsqrt3A : vector<10112x1xf32> to vector<10112x32xf32>
    %mul3A_27 = arith.mulf %add3A_26, %mul3A : vector<10112x32xf32>
    %max3A = arith.constant 0.000000e+00 : f32
    %max3A_28 = vector.broadcast %max3A : f32 to vector<10112x32xf32>
    %max3A_29 = arith.maximumf %mul3A_27, %max3A_28 : vector<10112x32xf32>
    %swap3A = arith.constant 0 : index
    %swap3A_30 = arith.constant 0 : index
    %swap3A_31 = vector.load %arg3[%swap3A, %swap3A_30] : memref<10112x32xf32, #tpu.memory_space<vmem>>, vector<10112x32xf32>
    tpu.vector_store %arg3[%swap3A, %swap3A_30], %max3A_29 {strides = array<i32>} : memref<10112x32xf32, #tpu.memory_space<vmem>>, vector<10112x32xf32>,
    return
  }
}

</mosaic_0001>

<sc_bundles>
// kernel: kernel.11.cloned.1.call-start
scs
__scs_entry_jumppad:
0x0: {  	(pc) =	sbr.rel $0x88, $3  }
0x1: {  	(tag) =	ssettag $0x0;
	lr =	simm.s32 $0x1  }
0x2: {  	[smem:$0x3F9D] =	sst lr;
	_ =	strace $0xD0000000  }
0x3: {  	_ = 	snop  }
0x4: {  	_ = 	snop  }
0x5: {  	_ = 	snop  }
0x6: {  	_ = 	snop  }
0x7: {  	_ = 	snop  }
__scs_overlays_trampoline_lowered:
0x8: {  	[smem:$0x3FAC] =	sst s0  }
0x9: {  	[smem:$0x3FAD] =	sst s1  }
0xa: {  	[smem:$0x3FAE] =	sst s2  }
0xb: {  	[smem:$0x3FAF] =	sst s3  }
0xc: {  	[smem:$0x3FB0] =	sst s4  }
0xd: {  	[smem:$0x3FB1] =	sst s5  }
0xe: {  	[smem:$0x3FB2] =	sst s6  }
0xf: {  	[smem:$0x3FB3] =	sst s7  }
0x10: {  	[smem:$0x3FB4] =	sst s8  }
0x11: {  	[smem:$0x3FB5] =	sst s9;
	s0 =	simm.s32 @!p0 $0x0  }
0x12: {  	s1 =	sld [smem:$0x3F9B];
	s0 =	simm.s32 @p0 $0x1  }
0x13: {  	[smem:$0x3FB6] =	sst s0;
	s0 =	simm.s32 @!p1 $0x0  }
0x14: {  	s2 =	sld [smem:$0x3F9A];
	s0 =	simm.s32 @p1 $0x1  }
0x15: {  	[smem:$0x3FB7] =	sst s0;
	s0 =	simm.s32 @!p2 $0x0  }
0x16: {  	s3 =	sld [smem:$0x3FDB];
	s0 =	simm.s32 @p2 $0x1  }
0x17: {  	s4 =	simm.s32 $0x1BF5;
	[smem:$0x3FB9] =	sst s0  }
0x18: {  	s0 =	sld [smem:$0x3F9C];
	_ =	swait.ge [sflag:s4], $0x0  }
0x19: {  	s7 =	sld [smem:$0x3F9D]  }
0x1a: {  	s8 =	sadd.s32 $0xFFFFE003, lr  }
0x1b: {  	s9 =	sadd.s32 $0xFFFFFEF7, lr;
	s5 =	simm.s32 $0xFFFFFFFF;
	p2 =	slt.u32 s8, $0xFFFFF086  }
0x1c: {  	p1 =	slt.u32 s9, $0xF7A;
	s5 =	simm.s32 @!p2 $0x0  }
0x1d: {  	s5 =	simm.s32 @p1 $0x1;
	p0 =	seq.s32 s7, s2  }
0x1e: {  	s7 =	smul.u32 @!p0 $0xF7A, s2;
	p2 =	seq.s32 @!p0 s5, $0x0  }
0x1f: {  	s9 =	smul.u32 $0xF7A, s1;
	s8 =	simm.s32 @!p0 $0x1BF5;
	p2 =	por !p2, p0  }
0x20: {  	[sflag:s8] =	ssyncset.s32 @!p0 $0xFFFFF086;
	s6 =	sadd.s32 @!p0 s3, s7;
	s7 =	simm.s32 @!p0 $0x108  }
0x21: {  	s3 =	sadd.s32 s3, s9;
	s6 =	sadd.s32 @!p0 $0x88, s6;
	s7 =	simm.s32 @p2 $0x1082  }
0x22: {  	[simem:s7], [sflag:s8] =	dma.local @!p0 [hbm:s6], $0xF7A  }
0x23: {  	s9 =	sor.u32 $0xD0000000, s2;
	s6 =	simm.s32 $0x108;
	_ =	swait.ge @!p0 [sflag:s8], $0x0  }
0x24: {  	s3 =	sadd.s32 $0x88, s3;
	s6 =	simm.s32 @!p1 $0x1082;
	[sflag:s4] =	ssyncset.s32 $0xFFFFF086  }
0x25: {  	[simem:s6], [sflag:s4] =	dma.local [hbm:s3], $0xF7A  }
0x26: {  	[smem:$0x3F9D] =	sst s1;
	(tag) =	ssettag s2;
	_ =	strace s9  }
0x27: {  	s1 =	sld [smem:$0x3FAD]  }
0x28: {  	s2 =	sld [smem:$0x3FAE]  }
0x29: {  	s4 =	sld [smem:$0x3FB0]  }
0x2a: {  	p0 =	seq.s32 s5, $0x0;
	s5 =	sld [smem:$0x3FB1]  }
0x2b: {  	s6 =	sld [smem:$0x3FB2]  }
0x2c: {  	s7 =	sld [smem:$0x3FB3]  }
0x2d: {  	s3 =	simm.s32 $0x108;
	s8 =	sld [smem:$0x3FB4]  }
0x2e: {  	s3 =	simm.s32 @!p0 $0x1082;
	s9 =	sld [smem:$0x3FB5]  }
0x2f: {  	lr =	sadd.s32 s0, s3;
	s0 =	sld [smem:$0x3FAC]  }
0x30: {  	s3 =	sld [smem:$0x3FAF]  }
0x31: {  	[smem:$0x3FB8] =	sst s10  }
0x32: {  	s10 =	sld [smem:$0x3FB6];
	_ =	sdelay $0x3  }
0x33: {  	p0 =	seq.s32 s10, $0x1;
	s10 =	sld [smem:$0x3FB8];
	_ =	sdelay $0x3  }
0x34: {  	[smem:$0x3FB8] =	sst s10  }
0x35: {  	s10 =	sld [smem:$0x3FB7];
	_ =	sdelay $0x3  }
0x36: {  	p1 =	seq.s32 s10, $0x1;
	s10 =	sld [smem:$0x3FB8];
	_ =	sdelay $0x3  }
0x37: {  	[smem:$0x3FB8] =	sst s10  }
0x38: {  	s10 =	sld [smem:$0x3FB9]  }
0x39: {  	_ = 	snop;
	(pc) =	sbr.ind lr, $3  }
0x3a: {  	_ = 	snop  }
0x3b: {  	_ = 	snop  }
0x3c: {  	p2 =	seq.s32 s10, $0x1;
	s10 =	sld [smem:$0x3FB8]  }
0x3d: {  	_ =	shalt  }
0x3e: {  	_ =	shalt  }
0x3f: {  	_ =	shalt  }
0x40: {  	_ =	shalt  }
0x41: {  	_ =	shalt  }
0x42: {  	_ =	shalt  }
0x43: {  	_ =	shalt  }
0x44: {  	_ =	shalt  }
0x45: {  	_ =	shalt  }
0x46: {  	_ =	shalt  }
0x47: {  	_ =	shalt  }
0x48: {  	_ =	shalt  }
0x49: {  	_ =	shalt  }
0x4a: {  	_ =	shalt  }
0x4b: {  	_ =	shalt  }
0x4c: {  	_ =	shalt  }
0x4d: {  	_ =	shalt  }
0x4e: {  	_ =	shalt  }
0x4f: {  	_ =	shalt  }
0x50: {  	_ =	shalt  }
0x51: {  	_ =	shalt  }
0x52: {  	_ =	shalt  }
0x53: {  	_ =	shalt  }
0x54: {  	_ =	shalt  }
0x55: {  	_ =	shalt  }
0x56: {  	_ =	shalt  }
0x57: {  	_ =	shalt  }
0x58: {  	_ =	shalt  }
0x59: {  	_ =	shalt  }
0x5a: {  	_ =	shalt  }
0x5b: {  	_ =	shalt  }
0x5c: {  	_ =	shalt  }
0x5d: {  	_ =	shalt  }
0x5e: {  	_ =	shalt  }
0x5f: {  	_ =	shalt  }
0x60: {  	_ =	shalt  }
0x61: {  	_ =	shalt  }
0x62: {  	_ =	shalt  }
0x63: {  	_ =	shalt  }
0x64: {  	_ =	shalt  }
0x65: {  	_ =	shalt  }
0x66: {  	_ =	shalt  }
0x67: {  	_ =	shalt  }
0x68: {  	_ =	shalt  }
0x69: {  	_ =	shalt  }
0x6a: {  	_ =	shalt  }
0x6b: {  	_ =	shalt  }
0x6c: {  	_ =	shalt  }
0x6d: {  	_ =	shalt  }
0x6e: {  	_ =	shalt  }
0x6f: {  	_ =	shalt  }
0x70: {  	_ =	shalt  }
0x71: {  	_ =	shalt  }
0x72: {  	_ =	shalt  }
0x73: {  	_ =	shalt  }
0x74: {  	_ =	shalt  }
0x75: {  	_ =	shalt  }
0x76: {  	_ =	shalt  }
0x77: {  	_ =	shalt  }
0x78: {  	_ =	shalt  }
0x79: {  	_ =	shalt  }
0x7a: {  	_ =	shalt  }
0x7b: {  	_ =	shalt  }
0x7c: {  	_ =	shalt  }
0x7d: {  	_ =	shalt  }
0x7e: {  	_ =	shalt  }
0x7f: {  	_ =	shalt  }
0x80: {  	_ =	shalt  }
0x81: {  	_ =	shalt  }
0x82: {  	_ =	shalt  }
0x83: {  	_ =	shalt  }
0x84: {  	_ =	shalt  }
0x85: {  	_ =	shalt  }
0x86: {  	_ =	shalt  }
0x87: {  	_ =	shalt  }
.Lfunc_end0:
.L_simem_size_0:
called_computation.1_lowered:
.L_overlay_start_0:
0x88: {  	s2 =	sld [smem:$0x3FD9]  }
0x89: {  	s3 =	sld [smem:$0x3FFE];
	_ =	sdelay $0x1  }
0x8a: {  	s1 =	srdreg.scid  }
0x8b: {  	s0 =	sand.u32 $0x1, s1  }
0x8c: {  	s17 =	sshll.u32 s0, $0xA;
	s2 =	sadd.s32 s3, s2  }
0x8d: {  	s2 =	sadd.s32 s2, s17  }
0x8e: {  	[smem:$0x3FC4] =	sst s2  }
0x8f: {  	_ = 	snop  }
0x90: {  	s2 =	sld [smem:$0x3FD0];
	(tm) =	ssettm $0x1  }
0x91: {  	s18 =	sld [smem:$0x3FFB];
	_ =	sdelay $0x3  }
0x92: {  	_ =	strace s18  }
0x93: {  	s3 =	sld [smem:$0x3FFC];
	_ =	sdelay $0x3  }
0x94: {  	_ =	strace s3  }
0x95: {  	s3 =	sld [smem:$0x3FFD];
	_ =	sdelay $0x3  }
0x96: {  	_ =	strace s3  }
0x97: {  	_ =	strace $0x8FFFFFFF  }
0x98: {  	s19 =	sld [smem:$0x3FDB];
	_ =	sdelay $0x1  }
0x99: {  	s4 =	simm.s32 $_scs_section_size  }
0x9a: {  	s5 =	simm.s32 $_size__tile_overlayer_lowered;
	s6 =	simm.s32 $_tile_overlayer_lowered  }
0x9b: {  	s22 =	simm.s32 $0x1BFF;
	s21 =	sshll.u32 s6, $0x1;
	s3 =	sadd.s32 s4, s19  }
0x9c: {  	s7 =	simm.s32 $0x0;
	s20 =	sshll.u32 s5, $0x1;
	s5 =	sadd.s32 s21, s3  }
0x9d: {  	[timem:s7], [sflag:s22] =	dma.local [hbm:s5], s20  }
0x9e: {  	_ =	swait.ge [sflag:s22], s20  }
0x9f: {  	s4 =	ssub.s32 $0x0, s20;
	[sflag:s22] =	ssyncset.done $0x0  }
0xa0: {  	[sflag:s22] =	ssyncadd.s32 s4;
	_ =	sdelay $0x1  }
0xa1: {  	s23 =	simm.s32 $0x1B8B  }
0xa2: {  	_ =	swait.ge [sflag:s23], $0x1  }
0xa3: {  	[sflag:s23] =	ssyncset.done $0x0  }
0xa4: {  	s25 =	simm.s32 $0x1B8E;
	s24 =	sld [smem:$0x3FFE];
	[sflag:s23] =	ssyncadd.s32 $0xFFFFFFFF  }
0xa5: {  	s26 =	simm.s32 $execute0_lowered;
	[smem:$0x3FD2] =	sst s25  }
0xa6: {  	s5 =	sshll.u32 s26, $0x1;
	_ =	strace $0x80000049;
	[dreg:$0x1] =	wrdreg $0xFFFFFFFF  }
0xa7: {  	s28 =	simm.s32 $_size_execute0_lowered;
	s3 =	sadd.s32 s3, s5;
	[dreg:$0x0] =	wrdreg $0x0  }
0xa8: {  	s5 =	sshll.u32 s28, $0x1;
	[dreg:$0x2] =	wrdreg s3  }
0xa9: {  	[dreg:$0x3] =	wrdreg s5  }
0xaa: {  	[dreg:$0x4] =	wrdreg $0xC0  }
0xab: {  	_ =	task [dreg:s7], $0x5FFFF  }
0xac: {  	[dreg:$0x1] =	wrdreg $0xFFFFFFFF  }
0xad: {  	[dreg:$0x0] =	wrdreg $0x60  }
0xae: {  	[dreg:$0x2] =	wrdreg s24  }
0xaf: {  	[dreg:$0x3] =	wrdreg s2  }
0xb0: {  	[dreg:$0x4] =	wrdreg $0x41000  }
0xb1: {  	[dreg:$0x5] =	wrdreg $0x9  }
0xb2: {  	_ =	task.clear_ibuf [dreg:s7], $0x6FFFF;
	_ =	strace $0x90000049  }
0xb3: {  	s29 =	simm.s32 $0x9;
	_ =	strace $0x8000004B  }
0xb4: {  	_ =	swait.ge [sflag:s29], $0x1  }
0xb5: {  	[sflag:s29] =	ssyncadd.s32 $0xFFFFFFFF  }
0xb6: {  	_ =	strace $0x9000004B  }
0xb7: {  	_ =	sfence  }
0xb8: {  	s30 =	sld [smem:$0x0];
	_ =	sdelay $0x2  }
0xb9: {  	s31 =	sshll.u32 s1, $0xD;
	s1 =	sshrl.u32 s1, $0x2  }
0xba: {  	s3 =	sand.u32 $0x4000, s31;
	s1 =	sadd.s32 s1, s30  }
0xbb: {  	s0 =	sor.u32 s3, s0;
	s1 =	sshll.u32 s1, $0x11  }
0xbc: {  	s0 =	sor.u32 s1, s0  }
0xbd: {  	s0 =	sadd.s32 $0x8F2B, s0  }
0xbe: {  	[sflag:s0] =	ssyncadd.remote.s32 $0x1  }
0xbf: {  	_ =	sfence.sel $0xFFFF  }
0xc0: {  	[dreg:$0x0] =	wrdreg $0xFFFFFFFF;
	(pc) =	sbr.abs _section_cstart, $3  }
0xc1: {  	[dreg:$0x1] =	wrdreg $0xFFFFFFFF  }
0xc2: {  	_ =	task.clear_ibuf [dreg:s7], $0x2FFFF;
	_ =	strace $0x9FFFFFFF  }
0xc3: {  	(tm) =	ssettm $0x7FFFFFFF  }
tec
execute0_lowered:
.L_overlay_start_1:
0x0: {  	(tag) =	ssettag $0x1  }
0x1: {  	s5 =	rddreg [dreg:$0x0]  }
0x2: {  	s9 =	rddreg [dreg:$0x1]  }
0x3: {  	s2 =	rddreg [dreg:$0x2]  }
0x4: {  	s0 =	rddreg [dreg:$0x3]  }
0x5: {  	s1 =	stileid.u32;
	s3 =	simm.s32 $0x0;
	s4 =	srdreg.scid  }
0x6: {  	s16 =	simm.s32 $0x900;
	s17 =	simm.s32 $0x1100;
	s18 =	simm.s32 $0x1900  }
0x7: {  	s19 =	simm.s32 $0x2100;
	s20 =	simm.s32 $0x2900;
	s21 =	simm.s32 $0x3100  }
0x8: {  	s22 =	simm.s32 $0x3900;
	s23 =	simm.s32 $0x0;
	s10 =	smul.u32 $0x9E0, s1  }
0x9: {  	[smem:$0x7FF] =	sst s3;
	s6 =	smul.u32 $0x13C00, s1;
	s7 =	sand.u32 $0x1, s4  }
0xa: {  	s4 =	sadd.s32 $0x82E00, s5;
	s13 =	smul.u32 $0x4F000, s1;
	s30 =	sshll.u32 s1, $0x6  }
0xb: {  	_ =	strace $0x8000004A;
	s8 =	smul.u32 $0x13C000, s7;
	s28 =	ssub.s32 $0x2, s7  }
0xc: {  	s31 =	smul.u32 $0x4F0, s7;
	s11 =	sadd.s32 s10, s5;
	s12 =	sshrl.u32 s6, $0x3  }
0xd: {  	s14 =	sshrl.u32 s28, $0x1;
	s29 =	sshrl.u32 s13, $0x2;
	s10 =	sadd.s32 s10, s9  }
0xe: {  	s6 =	sadd.s32 s6, s8;
	s12 =	sadd.s32 s12, s5;
	s8 =	ssub.s32 s28, s14  }
0xf: {  	s13 =	sadd.s32 s29, s2;
	s11 =	sadd.s32 s31, s11;
	s10 =	sadd.s32 s31, s10  }
0x10: {  	s14 =	simm.s32 $0x100;
	s6 =	sshrl.u32 s6, $0x3;
	s8 =	smax.u32 s8, $0x1  }
0x11: {  	s9 =	sadd.s32 $0x2600, s11;
	s11 =	sshrl.u32 s13, $0x3;
	s13 =	simm.s32 $0x80  }
0x12: {  	s15 =	sadd.s32 s6, s5;
	s5 =	sadd.s32 $0xC600, s12;
	s6 =	sor.u32 $0x1C02, s30  }
0x13: {  	vm0 =	vmmov $0xffff;
	s12 =	simm.s32 $0x2;
	s7 =	sadd.s32 $0xAA600, s15;
	s15 =	simm.s32 $0x1  }
.LBB2_1:
0x14: {  	[spmem:s11], [sflag:s6] =	dma.local [hbm:s5], $0x2780  }
0x15: {  	_ =	swait.ge [sflag:s12], $0x2780  }
0x16: {  	[sflag:s12] =	ssyncset.done $0x0  }
0x17: {  	[sflag:s12] =	ssyncadd.s32 $0xFFFFD880  }
0x18: {  	s24 =	simm.s32 $0x0;
	[bflag:$0x0] =	sbarrier.arrive $0xFFFF  }
.LBB2_2:
0x19: {  	s25 =	sadd.s32 s24, s10  }
0x1a: {  	[tilespmem:s3], [sflag:$0x2] =	stream.linear.gather [hbm4b:s25+s3], $0x80, $0x38;
	[tilespmem:$0x17D00] =	vst v63  }
0x1b: {  	_ =	swait.ge [sflag:s12], $0x80  }
0x1c: {  	[sflag:s12] =	ssyncset.done $0x0  }
0x1d: {  	s31 =	sadd.s32 s24, s9;
	[sflag:s12] =	ssyncadd.s32 $0xFFFFFF80  }
0x1e: {  	[tilespmem:s13], [sflag:$0x2] =	stream.linear.gather [hbm4b:s31+s3], $0x80, $0x38;
	[tilespmem:$0x17D00] =	vst v63  }
0x1f: {  	_ =	swait.ge [sflag:s12], $0x80  }
0x20: {  	[sflag:s12] =	ssyncset.done $0x0  }
0x21: {  	[sflag:s12] =	ssyncadd.s32 $0xFFFFFF80  }
0x22: {  	[tilespmem:s14], [sflag:$0x1] =	stream.indirect.gather [hbm4b:s4+s13], $0x80, s3, s13, $0xb8;
	[tilespmem:$0x17D00] =	vst v63  }
0x23: {  	_ =	swait.ge [sflag:s15], $0x4000  }
0x24: {  	[sflag:s15] =	ssyncset.done $0x0  }
0x25: {  	[sflag:s15] =	ssyncadd.s32 $0xFFFFC000  }
0x26: {  	v0 =	vld [tilespmem:$0x80];
	_ =	sdelay $0x7  }
0x27: {  	[spmem:s2] =	stream.indirect_vreg.scatter.add.f32 [tilespmem:s14], [sflag:$0x2], $0x80, v0, vm0, $0xb8;
	[tilespmem:$0x17D00] =	vst v63  }
0x28: {  	_ =	swait.ge [sflag:s12], $0x800  }
0x29: {  	[sflag:s12] =	ssyncset.done $0x0  }
0x2a: {  	[sflag:s12] =	ssyncadd.s32 $0xFFFFF800  }
0x2b: {  	v57 =	vld [tilespmem:$0x90];
	_ =	sdelay $0x7  }
0x2c: {  	[spmem:s2] =	stream.indirect_vreg.scatter.add.f32 [tilespmem:s16], [sflag:$0x2], $0x80, v57, vm0, $0xb8;
	[tilespmem:$0x17D00] =	vst v63  }
0x2d: {  	_ =	swait.ge [sflag:s12], $0x800  }
0x2e: {  	[sflag:s12] =	ssyncset.done $0x0  }
0x2f: {  	[sflag:s12] =	ssyncadd.s32 $0xFFFFF800  }
0x30: {  	v58 =	vld [tilespmem:$0xA0];
	_ =	sdelay $0x7  }
0x31: {  	[spmem:s2] =	stream.indirect_vreg.scatter.add.f32 [tilespmem:s17], [sflag:$0x2], $0x80, v58, vm0, $0xb8;
	[tilespmem:$0x17D00] =	vst v63  }
0x32: {  	_ =	swait.ge [sflag:s12], $0x800  }
0x33: {  	[sflag:s12] =	ssyncset.done $0x0  }
0x34: {  	[sflag:s12] =	ssyncadd.s32 $0xFFFFF800  }
0x35: {  	v59 =	vld [tilespmem:$0xB0];
	_ =	sdelay $0x7  }
0x36: {  	[spmem:s2] =	stream.indirect_vreg.scatter.add.f32 [tilespmem:s18], [sflag:$0x2], $0x80, v59, vm0, $0xb8;
	[tilespmem:$0x17D00] =	vst v63  }
0x37: {  	_ =	swait.ge [sflag:s12], $0x800  }
0x38: {  	[sflag:s12] =	ssyncset.done $0x0  }
0x39: {  	[sflag:s12] =	ssyncadd.s32 $0xFFFFF800  }
0x3a: {  	v60 =	vld [tilespmem:$0xC0];
	_ =	sdelay $0x7  }
0x3b: {  	[spmem:s2] =	stream.indirect_vreg.scatter.add.f32 [tilespmem:s19], [sflag:$0x2], $0x80, v60, vm0, $0xb8;
	[tilespmem:$0x17D00] =	vst v63  }
0x3c: {  	_ =	swait.ge [sflag:s12], $0x800  }
0x3d: {  	[sflag:s12] =	ssyncset.done $0x0  }
0x3e: {  	[sflag:s12] =	ssyncadd.s32 $0xFFFFF800  }
0x3f: {  	v61 =	vld [tilespmem:$0xD0];
	_ =	sdelay $0x7  }
0x40: {  	[spmem:s2] =	stream.indirect_vreg.scatter.add.f32 [tilespmem:s20], [sflag:$0x2], $0x80, v61, vm0, $0xb8;
	[tilespmem:$0x17D00] =	vst v63  }
0x41: {  	_ =	swait.ge [sflag:s12], $0x800  }
0x42: {  	[sflag:s12] =	ssyncset.done $0x0  }
0x43: {  	[sflag:s12] =	ssyncadd.s32 $0xFFFFF800  }
0x44: {  	v62 =	vld [tilespmem:$0xE0];
	_ =	sdelay $0x7  }
0x45: {  	[spmem:s2] =	stream.indirect_vreg.scatter.add.f32 [tilespmem:s21], [sflag:$0x2], $0x80, v62, vm0, $0xb8;
	[tilespmem:$0x17D00] =	vst v63  }
0x46: {  	_ =	swait.ge [sflag:s12], $0x800  }
0x47: {  	[sflag:s12] =	ssyncset.done $0x0  }
0x48: {  	[sflag:s12] =	ssyncadd.s32 $0xFFFFF800  }
0x49: {  	v63 =	vld [tilespmem:$0xF0];
	_ =	sdelay $0x5  }
0x4a: {  	p0 =	sne.s32 s24, $0x4E0  }
.Ltmp0:
0x4b: {  	_ = 	snop;
	(pc) =	sbr.rel @p0 .LBB2_2-.Ltmp0, $4  }
0x4c: {  	[spmem:s2] =	stream.indirect_vreg.scatter.add.f32 [tilespmem:s22], [sflag:$0x2], $0x80, v63, vm0, $0xb8;
	[tilespmem:$0x17D00] =	vst v63  }
0x4d: {  	_ =	swait.ge [sflag:s12], $0x800  }
0x4e: {  	[sflag:s12] =	ssyncset.done $0x0  }
0x4f: {  	s24 =	sadd.s32 $0x10, s24;
	[sflag:s12] =	ssyncadd.s32 $0xFFFFF800  }
0x50: {  	s23 =	sadd.s32 $0x1, s23  }
0x51: {  	p0 =	sne.s32 s23, s8  }
.Ltmp1:
0x52: {  	[bflag:$0x0] =	sbarrier.arrive $0xFFFF;
	(pc) =	sbr.rel @p0 .LBB2_1-.Ltmp1, $4  }
0x53: {  	[hbm:s7], [sflag:s6] =	dma.local [spmem:s11], $0x2780  }
0x54: {  	_ =	swait.ge [sflag:s12], $0x2780  }
0x55: {  	[sflag:s12] =	ssyncset.done $0x0  }
0x56: {  	[sflag:s12] =	ssyncadd.s32 $0xFFFFD880  }
0x57: {  	_ =	sfence.sel $0x180000  }
0x58: {  	[bflag:$0x0] =	sbarrier.arrive $0xFFFF  }
0x59: {  	p0 =	sne.s32 s1, $0x0;
	_ =	strace $0x9000004A  }
0x5a: {  	s0 =	sadd.s32 @!p0 $0x100000, s0;
	[bflag:$0x2] =	sbarrier.arrive $0xFFFF  }
0x5b: {  	[sflag:s0] =	ssyncadd.tile.s32 @!p0 $0x1;
	_ =	shalt  }
.Lfunc_end2:
_tile_overlayer_lowered:
.L_overlay_start_2:
0x5c: {  	(tag) =	ssettag $0x2  }
0x5d: {  	s0 =	rddreg [dreg:$0x0];
	s2 =	stileid.u32  }
0x5e: {  	s1 =	rddreg [dreg:$0x1];
	p0 =	sne.s32 s2, $0x0  }
0x5f: {  	s3 =	rddreg [dreg:$0x2];
	[bflag:$0x3] =	sbarrier.arrive $0xFFFF;
	s2 =	simm.s32 @!p0 $0x1C02  }
0x60: {  	[timem:s3], [sflag:s2] =	dma.local @!p0 [hbm:s0], s1  }
0x61: {  	s0 =	simm.s32 @!p0 $0x2  }
0x62: {  	_ =	swait.ge @!p0 [sflag:s0], s1  }
0x63: {  	s1 =	ssub.s32 @!p0 $0x0, s1;
	[sflag:s0] =	ssyncset.done @!p0 $0x0  }
0x64: {  	[sflag:s0] =	ssyncadd.s32 @!p0 s1  }
0x65: {  	[bflag:$0x3] =	sbarrier.arrive $0xFFFF  }
0x66: {  	_ =	shalt  }

// kernel: kernel.14.cloned.1.call-start
scs
__scs_entry_jumppad:
0x0: {  	(pc) =	sbr.rel $0x88, $3  }
0x1: {  	(tag) =	ssettag $0x0;
	lr =	simm.s32 $0x1  }
0x2: {  	[smem:$0x3F9D] =	sst lr;
	_ =	strace $0xD0000000  }
0x3: {  	_ = 	snop  }
0x4: {  	_ = 	snop  }
0x5: {  	_ = 	snop  }
0x6: {  	_ = 	snop  }
0x7: {  	_ = 	snop  }
__scs_overlays_trampoline_lowered:
0x8: {  	[smem:$0x3FAC] =	sst s0  }
0x9: {  	[smem:$0x3FAD] =	sst s1  }
0xa: {  	[smem:$0x3FAE] =	sst s2  }
0xb: {  	[smem:$0x3FAF] =	sst s3  }
0xc: {  	[smem:$0x3FB0] =	sst s4  }
0xd: {  	[smem:$0x3FB1] =	sst s5  }
0xe: {  	[smem:$0x3FB2] =	sst s6  }
0xf: {  	[smem:$0x3FB3] =	sst s7  }
0x10: {  	[smem:$0x3FB4] =	sst s8  }
0x11: {  	[smem:$0x3FB5] =	sst s9;
	s0 =	simm.s32 @!p0 $0x0  }
0x12: {  	s1 =	sld [smem:$0x3F9B];
	s0 =	simm.s32 @p0 $0x1  }
0x13: {  	[smem:$0x3FB6] =	sst s0;
	s0 =	simm.s32 @!p1 $0x0  }
0x14: {  	s2 =	sld [smem:$0x3F9A];
	s0 =	simm.s32 @p1 $0x1  }
0x15: {  	[smem:$0x3FB7] =	sst s0;
	s0 =	simm.s32 @!p2 $0x0  }
0x16: {  	s3 =	sld [smem:$0x3FDB];
	s0 =	simm.s32 @p2 $0x1  }
0x17: {  	s4 =	simm.s32 $0x1BF5;
	[smem:$0x3FB9] =	sst s0  }
0x18: {  	s0 =	sld [smem:$0x3F9C];
	_ =	swait.ge [sflag:s4], $0x0  }
0x19: {  	s7 =	sld [smem:$0x3F9D]  }
0x1a: {  	s8 =	sadd.s32 $0xFFFFE003, lr  }
0x1b: {  	s9 =	sadd.s32 $0xFFFFFEF7, lr;
	s5 =	simm.s32 $0xFFFFFFFF;
	p2 =	slt.u32 s8, $0xFFFFF086  }
0x1c: {  	p1 =	slt.u32 s9, $0xF7A;
	s5 =	simm.s32 @!p2 $0x0  }
0x1d: {  	s5 =	simm.s32 @p1 $0x1;
	p0 =	seq.s32 s7, s2  }
0x1e: {  	s7 =	smul.u32 @!p0 $0xF7A, s2;
	p2 =	seq.s32 @!p0 s5, $0x0  }
0x1f: {  	s9 =	smul.u32 $0xF7A, s1;
	s8 =	simm.s32 @!p0 $0x1BF5;
	p2 =	por !p2, p0  }
0x20: {  	[sflag:s8] =	ssyncset.s32 @!p0 $0xFFFFF086;
	s6 =	sadd.s32 @!p0 s3, s7;
	s7 =	simm.s32 @!p0 $0x108  }
0x21: {  	s3 =	sadd.s32 s3, s9;
	s6 =	sadd.s32 @!p0 $0x88, s6;
	s7 =	simm.s32 @p2 $0x1082  }
0x22: {  	[simem:s7], [sflag:s8] =	dma.local @!p0 [hbm:s6], $0xF7A  }
0x23: {  	s9 =	sor.u32 $0xD0000000, s2;
	s6 =	simm.s32 $0x108;
	_ =	swait.ge @!p0 [sflag:s8], $0x0  }
0x24: {  	s3 =	sadd.s32 $0x88, s3;
	s6 =	simm.s32 @!p1 $0x1082;
	[sflag:s4] =	ssyncset.s32 $0xFFFFF086  }
0x25: {  	[simem:s6], [sflag:s4] =	dma.local [hbm:s3], $0xF7A  }
0x26: {  	[smem:$0x3F9D] =	sst s1;
	(tag) =	ssettag s2;
	_ =	strace s9  }
0x27: {  	s1 =	sld [smem:$0x3FAD]  }
0x28: {  	s2 =	sld [smem:$0x3FAE]  }
0x29: {  	s4 =	sld [smem:$0x3FB0]  }
0x2a: {  	p0 =	seq.s32 s5, $0x0;
	s5 =	sld [smem:$0x3FB1]  }
0x2b: {  	s6 =	sld [smem:$0x3FB2]  }
0x2c: {  	s7 =	sld [smem:$0x3FB3]  }
0x2d: {  	s3 =	simm.s32 $0x108;
	s8 =	sld [smem:$0x3FB4]  }
0x2e: {  	s3 =	simm.s32 @!p0 $0x1082;
	s9 =	sld [smem:$0x3FB5]  }
0x2f: {  	lr =	sadd.s32 s0, s3;
	s0 =	sld [smem:$0x3FAC]  }
0x30: {  	s3 =	sld [smem:$0x3FAF]  }
0x31: {  	[smem:$0x3FB8] =	sst s10  }
0x32: {  	s10 =	sld [smem:$0x3FB6];
	_ =	sdelay $0x3  }
0x33: {  	p0 =	seq.s32 s10, $0x1;
	s10 =	sld [smem:$0x3FB8];
	_ =	sdelay $0x3  }
0x34: {  	[smem:$0x3FB8] =	sst s10  }
0x35: {  	s10 =	sld [smem:$0x3FB7];
	_ =	sdelay $0x3  }
0x36: {  	p1 =	seq.s32 s10, $0x1;
	s10 =	sld [smem:$0x3FB8];
	_ =	sdelay $0x3  }
0x37: {  	[smem:$0x3FB8] =	sst s10  }
0x38: {  	s10 =	sld [smem:$0x3FB9]  }
0x39: {  	_ = 	snop;
	(pc) =	sbr.ind lr, $3  }
0x3a: {  	_ = 	snop  }
0x3b: {  	_ = 	snop  }
0x3c: {  	p2 =	seq.s32 s10, $0x1;
	s10 =	sld [smem:$0x3FB8]  }
0x3d: {  	_ =	shalt  }
0x3e: {  	_ =	shalt  }
0x3f: {  	_ =	shalt  }
0x40: {  	_ =	shalt  }
0x41: {  	_ =	shalt  }
0x42: {  	_ =	shalt  }
0x43: {  	_ =	shalt  }
0x44: {  	_ =	shalt  }
0x45: {  	_ =	shalt  }
0x46: {  	_ =	shalt  }
0x47: {  	_ =	shalt  }
0x48: {  	_ =	shalt  }
0x49: {  	_ =	shalt  }
0x4a: {  	_ =	shalt  }
0x4b: {  	_ =	shalt  }
0x4c: {  	_ =	shalt  }
0x4d: {  	_ =	shalt  }
0x4e: {  	_ =	shalt  }
0x4f: {  	_ =	shalt  }
0x50: {  	_ =	shalt  }
0x51: {  	_ =	shalt  }
0x52: {  	_ =	shalt  }
0x53: {  	_ =	shalt  }
0x54: {  	_ =	shalt  }
0x55: {  	_ =	shalt  }
0x56: {  	_ =	shalt  }
0x57: {  	_ =	shalt  }
0x58: {  	_ =	shalt  }
0x59: {  	_ =	shalt  }
0x5a: {  	_ =	shalt  }
0x5b: {  	_ =	shalt  }
0x5c: {  	_ =	shalt  }
0x5d: {  	_ =	shalt  }
0x5e: {  	_ =	shalt  }
0x5f: {  	_ =	shalt  }
0x60: {  	_ =	shalt  }
0x61: {  	_ =	shalt  }
0x62: {  	_ =	shalt  }
0x63: {  	_ =	shalt  }
0x64: {  	_ =	shalt  }
0x65: {  	_ =	shalt  }
0x66: {  	_ =	shalt  }
0x67: {  	_ =	shalt  }
0x68: {  	_ =	shalt  }
0x69: {  	_ =	shalt  }
0x6a: {  	_ =	shalt  }
0x6b: {  	_ =	shalt  }
0x6c: {  	_ =	shalt  }
0x6d: {  	_ =	shalt  }
0x6e: {  	_ =	shalt  }
0x6f: {  	_ =	shalt  }
0x70: {  	_ =	shalt  }
0x71: {  	_ =	shalt  }
0x72: {  	_ =	shalt  }
0x73: {  	_ =	shalt  }
0x74: {  	_ =	shalt  }
0x75: {  	_ =	shalt  }
0x76: {  	_ =	shalt  }
0x77: {  	_ =	shalt  }
0x78: {  	_ =	shalt  }
0x79: {  	_ =	shalt  }
0x7a: {  	_ =	shalt  }
0x7b: {  	_ =	shalt  }
0x7c: {  	_ =	shalt  }
0x7d: {  	_ =	shalt  }
0x7e: {  	_ =	shalt  }
0x7f: {  	_ =	shalt  }
0x80: {  	_ =	shalt  }
0x81: {  	_ =	shalt  }
0x82: {  	_ =	shalt  }
0x83: {  	_ =	shalt  }
0x84: {  	_ =	shalt  }
0x85: {  	_ =	shalt  }
0x86: {  	_ =	shalt  }
0x87: {  	_ =	shalt  }
.Lfunc_end0:
.L_simem_size_0:
called_computation.2_lowered:
.L_overlay_start_0:
0x88: {  	s2 =	sld [smem:$0x3FD9]  }
0x89: {  	s3 =	sld [smem:$0x3FFE];
	_ =	sdelay $0x1  }
0x8a: {  	s1 =	srdreg.scid  }
0x8b: {  	s0 =	sand.u32 $0x1, s1  }
0x8c: {  	s17 =	sshll.u32 s0, $0xA;
	s2 =	sadd.s32 s3, s2  }
0x8d: {  	s2 =	sadd.s32 s2, s17  }
0x8e: {  	[smem:$0x3FC4] =	sst s2  }
0x8f: {  	_ = 	snop  }
0x90: {  	s2 =	sld [smem:$0x3FD0];
	(tm) =	ssettm $0x1  }
0x91: {  	s18 =	sld [smem:$0x3FFB];
	_ =	sdelay $0x3  }
0x92: {  	_ =	strace s18  }
0x93: {  	s3 =	sld [smem:$0x3FFC];
	_ =	sdelay $0x3  }
0x94: {  	_ =	strace s3  }
0x95: {  	s3 =	sld [smem:$0x3FFD];
	_ =	sdelay $0x3  }
0x96: {  	_ =	strace s3  }
0x97: {  	_ =	strace $0x8FFFFFFF  }
0x98: {  	s19 =	sld [smem:$0x3FDB];
	_ =	sdelay $0x1  }
0x99: {  	s4 =	simm.s32 $_scs_section_size  }
0x9a: {  	s5 =	simm.s32 $_size__tile_overlayer_lowered;
	s6 =	simm.s32 $_tile_overlayer_lowered  }
0x9b: {  	s22 =	simm.s32 $0x1BFF;
	s21 =	sshll.u32 s6, $0x1;
	s3 =	sadd.s32 s4, s19  }
0x9c: {  	s7 =	simm.s32 $0x0;
	s20 =	sshll.u32 s5, $0x1;
	s5 =	sadd.s32 s21, s3  }
0x9d: {  	[timem:s7], [sflag:s22] =	dma.local [hbm:s5], s20  }
0x9e: {  	_ =	swait.ge [sflag:s22], s20  }
0x9f: {  	s4 =	ssub.s32 $0x0, s20;
	[sflag:s22] =	ssyncset.done $0x0  }
0xa0: {  	[sflag:s22] =	ssyncadd.s32 s4;
	_ =	sdelay $0x1  }
0xa1: {  	s23 =	simm.s32 $0x1B8B  }
0xa2: {  	_ =	swait.ge [sflag:s23], $0x1  }
0xa3: {  	[sflag:s23] =	ssyncset.done $0x0  }
0xa4: {  	s25 =	simm.s32 $0x1B8E;
	s24 =	sld [smem:$0x3FFE];
	[sflag:s23] =	ssyncadd.s32 $0xFFFFFFFF  }
0xa5: {  	s26 =	simm.s32 $execute0_lowered;
	[smem:$0x3FD2] =	sst s25  }
0xa6: {  	s5 =	sshll.u32 s26, $0x1;
	_ =	strace $0x8000004C;
	[dreg:$0x1] =	wrdreg $0xFFFFFFFF  }
0xa7: {  	s28 =	simm.s32 $_size_execute0_lowered;
	s3 =	sadd.s32 s3, s5;
	[dreg:$0x0] =	wrdreg $0x0  }
0xa8: {  	s5 =	sshll.u32 s28, $0x1;
	[dreg:$0x2] =	wrdreg s3  }
0xa9: {  	[dreg:$0x3] =	wrdreg s5  }
0xaa: {  	[dreg:$0x4] =	wrdreg $0xC0  }
0xab: {  	_ =	task [dreg:s7], $0x5FFFF  }
0xac: {  	[dreg:$0x1] =	wrdreg $0xFFFFFFFF  }
0xad: {  	[dreg:$0x0] =	wrdreg $0x60  }
0xae: {  	[dreg:$0x2] =	wrdreg s24  }
0xaf: {  	[dreg:$0x3] =	wrdreg s2  }
0xb0: {  	[dreg:$0x4] =	wrdreg $0x41000  }
0xb1: {  	[dreg:$0x5] =	wrdreg $0x9  }
0xb2: {  	_ =	task.clear_ibuf [dreg:s7], $0x6FFFF;
	_ =	strace $0x9000004C  }
0xb3: {  	s29 =	simm.s32 $0x9;
	_ =	strace $0x8000004E  }
0xb4: {  	_ =	swait.ge [sflag:s29], $0x1  }
0xb5: {  	[sflag:s29] =	ssyncadd.s32 $0xFFFFFFFF  }
0xb6: {  	_ =	strace $0x9000004E  }
0xb7: {  	_ =	sfence  }
0xb8: {  	s30 =	sld [smem:$0x0];
	_ =	sdelay $0x2  }
0xb9: {  	s31 =	sshll.u32 s1, $0xD;
	s1 =	sshrl.u32 s1, $0x2  }
0xba: {  	s3 =	sand.u32 $0x4000, s31;
	s1 =	sadd.s32 s1, s30  }
0xbb: {  	s0 =	sor.u32 s3, s0;
	s1 =	sshll.u32 s1, $0x11  }
0xbc: {  	s0 =	sor.u32 s1, s0  }
0xbd: {  	s0 =	sadd.s32 $0x8F2B, s0  }
0xbe: {  	[sflag:s0] =	ssyncadd.remote.s32 $0x1  }
0xbf: {  	_ =	sfence.sel $0xFFFF  }
0xc0: {  	[dreg:$0x0] =	wrdreg $0xFFFFFFFF;
	(pc) =	sbr.abs _section_cstart, $3  }
0xc1: {  	[dreg:$0x1] =	wrdreg $0xFFFFFFFF  }
0xc2: {  	_ =	task.clear_ibuf [dreg:s7], $0x2FFFF;
	_ =	strace $0x9FFFFFFF  }
0xc3: {  	(tm) =	ssettm $0x7FFFFFFF  }
tec
execute0_lowered:
.L_overlay_start_1:
0x0: {  	(tag) =	ssettag $0x1  }
0x1: {  	s5 =	rddreg [dreg:$0x0]  }
0x2: {  	s9 =	rddreg [dreg:$0x1]  }
0x3: {  	s2 =	rddreg [dreg:$0x2]  }
0x4: {  	s0 =	rddreg [dreg:$0x3]  }
0x5: {  	s1 =	stileid.u32;
	s3 =	simm.s32 $0x0;
	s4 =	srdreg.scid  }
0x6: {  	s16 =	simm.s32 $0x900;
	s17 =	simm.s32 $0x1100;
	s18 =	simm.s32 $0x1900  }
0x7: {  	s19 =	simm.s32 $0x2100;
	s20 =	simm.s32 $0x2900;
	s21 =	simm.s32 $0x3100  }
0x8: {  	s22 =	simm.s32 $0x3900;
	s23 =	simm.s32 $0x0;
	s10 =	smul.u32 $0x9E0, s1  }
0x9: {  	[smem:$0x7FF] =	sst s3;
	s6 =	smul.u32 $0x13C00, s1;
	s7 =	sand.u32 $0x1, s4  }
0xa: {  	s4 =	sadd.s32 $0x82E00, s5;
	s13 =	smul.u32 $0x4F000, s1;
	s30 =	sshll.u32 s1, $0x6  }
0xb: {  	_ =	strace $0x8000004D;
	s8 =	smul.u32 $0x13C000, s7;
	s28 =	ssub.s32 $0x2, s7  }
0xc: {  	s31 =	smul.u32 $0x4F0, s7;
	s11 =	sadd.s32 s10, s5;
	s12 =	sshrl.u32 s6, $0x3  }
0xd: {  	s14 =	sshrl.u32 s28, $0x1;
	s29 =	sshrl.u32 s13, $0x2;
	s10 =	sadd.s32 s10, s9  }
0xe: {  	s6 =	sadd.s32 s6, s8;
	s12 =	sadd.s32 s12, s5;
	s8 =	ssub.s32 s28, s14  }
0xf: {  	s13 =	sadd.s32 s29, s2;
	s11 =	sadd.s32 s31, s11;
	s10 =	sadd.s32 s31, s10  }
0x10: {  	s14 =	simm.s32 $0x100;
	s6 =	sshrl.u32 s6, $0x3;
	s8 =	smax.u32 s8, $0x1  }
0x11: {  	s9 =	sadd.s32 $0x2600, s11;
	s11 =	sshrl.u32 s13, $0x3;
	s13 =	simm.s32 $0x80  }
0x12: {  	s15 =	sadd.s32 s6, s5;
	s5 =	sadd.s32 $0xC600, s12;
	s6 =	sor.u32 $0x1C02, s30  }
0x13: {  	vm0 =	vmmov $0xffff;
	s12 =	simm.s32 $0x2;
	s7 =	sadd.s32 $0xAA600, s15;
	s15 =	simm.s32 $0x1  }
.LBB2_1:
0x14: {  	[spmem:s11], [sflag:s6] =	dma.local [hbm:s5], $0x2780  }
0x15: {  	_ =	swait.ge [sflag:s12], $0x2780  }
0x16: {  	[sflag:s12] =	ssyncset.done $0x0  }
0x17: {  	[sflag:s12] =	ssyncadd.s32 $0xFFFFD880  }
0x18: {  	s24 =	simm.s32 $0x0;
	[bflag:$0x0] =	sbarrier.arrive $0xFFFF  }
.LBB2_2:
0x19: {  	s25 =	sadd.s32 s24, s10  }
0x1a: {  	[tilespmem:s3], [sflag:$0x2] =	stream.linear.gather [hbm4b:s25+s3], $0x80, $0x38;
	[tilespmem:$0x17D00] =	vst v63  }
0x1b: {  	_ =	swait.ge [sflag:s12], $0x80  }
0x1c: {  	[sflag:s12] =	ssyncset.done $0x0  }
0x1d: {  	s31 =	sadd.s32 s24, s9;
	[sflag:s12] =	ssyncadd.s32 $0xFFFFFF80  }
0x1e: {  	[tilespmem:s13], [sflag:$0x2] =	stream.linear.gather [hbm4b:s31+s3], $0x80, $0x38;
	[tilespmem:$0x17D00] =	vst v63  }
0x1f: {  	_ =	swait.ge [sflag:s12], $0x80  }
0x20: {  	[sflag:s12] =	ssyncset.done $0x0  }
0x21: {  	[sflag:s12] =	ssyncadd.s32 $0xFFFFFF80  }
0x22: {  	[tilespmem:s14], [sflag:$0x1] =	stream.indirect.gather [hbm4b:s4+s13], $0x80, s3, s13, $0xb8;
	[tilespmem:$0x17D00] =	vst v63  }
0x23: {  	_ =	swait.ge [sflag:s15], $0x4000  }
0x24: {  	[sflag:s15] =	ssyncset.done $0x0  }
0x25: {  	[sflag:s15] =	ssyncadd.s32 $0xFFFFC000  }
0x26: {  	v0 =	vld [tilespmem:$0x80];
	_ =	sdelay $0x7  }
0x27: {  	[spmem:s2] =	stream.indirect_vreg.scatter.add.f32 [tilespmem:s14], [sflag:$0x2], $0x80, v0, vm0, $0xb8;
	[tilespmem:$0x17D00] =	vst v63  }
0x28: {  	_ =	swait.ge [sflag:s12], $0x800  }
0x29: {  	[sflag:s12] =	ssyncset.done $0x0  }
0x2a: {  	[sflag:s12] =	ssyncadd.s32 $0xFFFFF800  }
0x2b: {  	v57 =	vld [tilespmem:$0x90];
	_ =	sdelay $0x7  }
0x2c: {  	[spmem:s2] =	stream.indirect_vreg.scatter.add.f32 [tilespmem:s16], [sflag:$0x2], $0x80, v57, vm0, $0xb8;
	[tilespmem:$0x17D00] =	vst v63  }
0x2d: {  	_ =	swait.ge [sflag:s12], $0x800  }
0x2e: {  	[sflag:s12] =	ssyncset.done $0x0  }
0x2f: {  	[sflag:s12] =	ssyncadd.s32 $0xFFFFF800  }
0x30: {  	v58 =	vld [tilespmem:$0xA0];
	_ =	sdelay $0x7  }
0x31: {  	[spmem:s2] =	stream.indirect_vreg.scatter.add.f32 [tilespmem:s17], [sflag:$0x2], $0x80, v58, vm0, $0xb8;
	[tilespmem:$0x17D00] =	vst v63  }
0x32: {  	_ =	swait.ge [sflag:s12], $0x800  }
0x33: {  	[sflag:s12] =	ssyncset.done $0x0  }
0x34: {  	[sflag:s12] =	ssyncadd.s32 $0xFFFFF800  }
0x35: {  	v59 =	vld [tilespmem:$0xB0];
	_ =	sdelay $0x7  }
0x36: {  	[spmem:s2] =	stream.indirect_vreg.scatter.add.f32 [tilespmem:s18], [sflag:$0x2], $0x80, v59, vm0, $0xb8;
	[tilespmem:$0x17D00] =	vst v63  }
0x37: {  	_ =	swait.ge [sflag:s12], $0x800  }
0x38: {  	[sflag:s12] =	ssyncset.done $0x0  }
0x39: {  	[sflag:s12] =	ssyncadd.s32 $0xFFFFF800  }
0x3a: {  	v60 =	vld [tilespmem:$0xC0];
	_ =	sdelay $0x7  }
0x3b: {  	[spmem:s2] =	stream.indirect_vreg.scatter.add.f32 [tilespmem:s19], [sflag:$0x2], $0x80, v60, vm0, $0xb8;
	[tilespmem:$0x17D00] =	vst v63  }
0x3c: {  	_ =	swait.ge [sflag:s12], $0x800  }
0x3d: {  	[sflag:s12] =	ssyncset.done $0x0  }
0x3e: {  	[sflag:s12] =	ssyncadd.s32 $0xFFFFF800  }
0x3f: {  	v61 =	vld [tilespmem:$0xD0];
	_ =	sdelay $0x7  }
0x40: {  	[spmem:s2] =	stream.indirect_vreg.scatter.add.f32 [tilespmem:s20], [sflag:$0x2], $0x80, v61, vm0, $0xb8;
	[tilespmem:$0x17D00] =	vst v63  }
0x41: {  	_ =	swait.ge [sflag:s12], $0x800  }
0x42: {  	[sflag:s12] =	ssyncset.done $0x0  }
0x43: {  	[sflag:s12] =	ssyncadd.s32 $0xFFFFF800  }
0x44: {  	v62 =	vld [tilespmem:$0xE0];
	_ =	sdelay $0x7  }
0x45: {  	[spmem:s2] =	stream.indirect_vreg.scatter.add.f32 [tilespmem:s21], [sflag:$0x2], $0x80, v62, vm0, $0xb8;
	[tilespmem:$0x17D00] =	vst v63  }
0x46: {  	_ =	swait.ge [sflag:s12], $0x800  }
0x47: {  	[sflag:s12] =	ssyncset.done $0x0  }
0x48: {  	[sflag:s12] =	ssyncadd.s32 $0xFFFFF800  }
0x49: {  	v63 =	vld [tilespmem:$0xF0];
	_ =	sdelay $0x5  }
0x4a: {  	p0 =	sne.s32 s24, $0x4E0  }
.Ltmp0:
0x4b: {  	_ = 	snop;
	(pc) =	sbr.rel @p0 .LBB2_2-.Ltmp0, $4  }
0x4c: {  	[spmem:s2] =	stream.indirect_vreg.scatter.add.f32 [tilespmem:s22], [sflag:$0x2], $0x80, v63, vm0, $0xb8;
	[tilespmem:$0x17D00] =	vst v63  }
0x4d: {  	_ =	swait.ge [sflag:s12], $0x800  }
0x4e: {  	[sflag:s12] =	ssyncset.done $0x0  }
0x4f: {  	s24 =	sadd.s32 $0x10, s24;
	[sflag:s12] =	ssyncadd.s32 $0xFFFFF800  }
0x50: {  	s23 =	sadd.s32 $0x1, s23  }
0x51: {  	p0 =	sne.s32 s23, s8  }
.Ltmp1:
0x52: {  	[bflag:$0x0] =	sbarrier.arrive $0xFFFF;
	(pc) =	sbr.rel @p0 .LBB2_1-.Ltmp1, $4  }
0x53: {  	[hbm:s7], [sflag:s6] =	dma.local [spmem:s11], $0x2780  }
0x54: {  	_ =	swait.ge [sflag:s12], $0x2780  }
0x55: {  	[sflag:s12] =	ssyncset.done $0x0  }
0x56: {  	[sflag:s12] =	ssyncadd.s32 $0xFFFFD880  }
0x57: {  	_ =	sfence.sel $0x180000  }
0x58: {  	[bflag:$0x0] =	sbarrier.arrive $0xFFFF  }
0x59: {  	p0 =	sne.s32 s1, $0x0;
	_ =	strace $0x9000004D  }
0x5a: {  	s0 =	sadd.s32 @!p0 $0x100000, s0;
	[bflag:$0x2] =	sbarrier.arrive $0xFFFF  }
0x5b: {  	[sflag:s0] =	ssyncadd.tile.s32 @!p0 $0x1;
	_ =	shalt  }
.Lfunc_end2:
_tile_overlayer_lowered:
.L_overlay_start_2:
0x5c: {  	(tag) =	ssettag $0x2  }
0x5d: {  	s0 =	rddreg [dreg:$0x0];
	s2 =	stileid.u32  }
0x5e: {  	s1 =	rddreg [dreg:$0x1];
	p0 =	sne.s32 s2, $0x0  }
0x5f: {  	s3 =	rddreg [dreg:$0x2];
	[bflag:$0x3] =	sbarrier.arrive $0xFFFF;
	s2 =	simm.s32 @!p0 $0x1C02  }
0x60: {  	[timem:s3], [sflag:s2] =	dma.local @!p0 [hbm:s0], s1  }
0x61: {  	s0 =	simm.s32 @!p0 $0x2  }
0x62: {  	_ =	swait.ge @!p0 [sflag:s0], s1  }
0x63: {  	s1 =	ssub.s32 @!p0 $0x0, s1;
	[sflag:s0] =	ssyncset.done @!p0 $0x0  }
0x64: {  	[sflag:s0] =	ssyncadd.s32 @!p0 s1  }
0x65: {  	[bflag:$0x3] =	sbarrier.arrive $0xFFFF  }
0x66: {  	_ =	shalt  }

// kernel: kernel.8.cloned.1.call-start
scs
__scs_entry_jumppad:
0x0: {  	(pc) =	sbr.rel $0x88, $3  }
0x1: {  	(tag) =	ssettag $0x0;
	lr =	simm.s32 $0x1  }
0x2: {  	[smem:$0x3F9D] =	sst lr;
	_ =	strace $0xD0000000  }
0x3: {  	_ = 	snop  }
0x4: {  	_ = 	snop  }
0x5: {  	_ = 	snop  }
0x6: {  	_ = 	snop  }
0x7: {  	_ = 	snop  }
__scs_overlays_trampoline_lowered:
0x8: {  	[smem:$0x3FAC] =	sst s0  }
0x9: {  	[smem:$0x3FAD] =	sst s1  }
0xa: {  	[smem:$0x3FAE] =	sst s2  }
0xb: {  	[smem:$0x3FAF] =	sst s3  }
0xc: {  	[smem:$0x3FB0] =	sst s4  }
0xd: {  	[smem:$0x3FB1] =	sst s5  }
0xe: {  	[smem:$0x3FB2] =	sst s6  }
0xf: {  	[smem:$0x3FB3] =	sst s7  }
0x10: {  	[smem:$0x3FB4] =	sst s8  }
0x11: {  	[smem:$0x3FB5] =	sst s9;
	s0 =	simm.s32 @!p0 $0x0  }
0x12: {  	s1 =	sld [smem:$0x3F9B];
	s0 =	simm.s32 @p0 $0x1  }
0x13: {  	[smem:$0x3FB6] =	sst s0;
	s0 =	simm.s32 @!p1 $0x0  }
0x14: {  	s2 =	sld [smem:$0x3F9A];
	s0 =	simm.s32 @p1 $0x1  }
0x15: {  	[smem:$0x3FB7] =	sst s0;
	s0 =	simm.s32 @!p2 $0x0  }
0x16: {  	s3 =	sld [smem:$0x3FDB];
	s0 =	simm.s32 @p2 $0x1  }
0x17: {  	s4 =	simm.s32 $0x1BF5;
	[smem:$0x3FB9] =	sst s0  }
0x18: {  	s0 =	sld [smem:$0x3F9C];
	_ =	swait.ge [sflag:s4], $0x0  }
0x19: {  	s7 =	sld [smem:$0x3F9D]  }
0x1a: {  	s8 =	sadd.s32 $0xFFFFE003, lr  }
0x1b: {  	s9 =	sadd.s32 $0xFFFFFEF7, lr;
	s5 =	simm.s32 $0xFFFFFFFF;
	p2 =	slt.u32 s8, $0xFFFFF086  }
0x1c: {  	p1 =	slt.u32 s9, $0xF7A;
	s5 =	simm.s32 @!p2 $0x0  }
0x1d: {  	s5 =	simm.s32 @p1 $0x1;
	p0 =	seq.s32 s7, s2  }
0x1e: {  	s7 =	smul.u32 @!p0 $0xF7A, s2;
	p2 =	seq.s32 @!p0 s5, $0x0  }
0x1f: {  	s9 =	smul.u32 $0xF7A, s1;
	s8 =	simm.s32 @!p0 $0x1BF5;
	p2 =	por !p2, p0  }
0x20: {  	[sflag:s8] =	ssyncset.s32 @!p0 $0xFFFFF086;
	s6 =	sadd.s32 @!p0 s3, s7;
	s7 =	simm.s32 @!p0 $0x108  }
0x21: {  	s3 =	sadd.s32 s3, s9;
	s6 =	sadd.s32 @!p0 $0x88, s6;
	s7 =	simm.s32 @p2 $0x1082  }
0x22: {  	[simem:s7], [sflag:s8] =	dma.local @!p0 [hbm:s6], $0xF7A  }
0x23: {  	s9 =	sor.u32 $0xD0000000, s2;
	s6 =	simm.s32 $0x108;
	_ =	swait.ge @!p0 [sflag:s8], $0x0  }
0x24: {  	s3 =	sadd.s32 $0x88, s3;
	s6 =	simm.s32 @!p1 $0x1082;
	[sflag:s4] =	ssyncset.s32 $0xFFFFF086  }
0x25: {  	[simem:s6], [sflag:s4] =	dma.local [hbm:s3], $0xF7A  }
0x26: {  	[smem:$0x3F9D] =	sst s1;
	(tag) =	ssettag s2;
	_ =	strace s9  }
0x27: {  	s1 =	sld [smem:$0x3FAD]  }
0x28: {  	s2 =	sld [smem:$0x3FAE]  }
0x29: {  	s4 =	sld [smem:$0x3FB0]  }
0x2a: {  	p0 =	seq.s32 s5, $0x0;
	s5 =	sld [smem:$0x3FB1]  }
0x2b: {  	s6 =	sld [smem:$0x3FB2]  }
0x2c: {  	s7 =	sld [smem:$0x3FB3]  }
0x2d: {  	s3 =	simm.s32 $0x108;
	s8 =	sld [smem:$0x3FB4]  }
0x2e: {  	s3 =	simm.s32 @!p0 $0x1082;
	s9 =	sld [smem:$0x3FB5]  }
0x2f: {  	lr =	sadd.s32 s0, s3;
	s0 =	sld [smem:$0x3FAC]  }
0x30: {  	s3 =	sld [smem:$0x3FAF]  }
0x31: {  	[smem:$0x3FB8] =	sst s10  }
0x32: {  	s10 =	sld [smem:$0x3FB6];
	_ =	sdelay $0x3  }
0x33: {  	p0 =	seq.s32 s10, $0x1;
	s10 =	sld [smem:$0x3FB8];
	_ =	sdelay $0x3  }
0x34: {  	[smem:$0x3FB8] =	sst s10  }
0x35: {  	s10 =	sld [smem:$0x3FB7];
	_ =	sdelay $0x3  }
0x36: {  	p1 =	seq.s32 s10, $0x1;
	s10 =	sld [smem:$0x3FB8];
	_ =	sdelay $0x3  }
0x37: {  	[smem:$0x3FB8] =	sst s10  }
0x38: {  	s10 =	sld [smem:$0x3FB9]  }
0x39: {  	_ = 	snop;
	(pc) =	sbr.ind lr, $3  }
0x3a: {  	_ = 	snop  }
0x3b: {  	_ = 	snop  }
0x3c: {  	p2 =	seq.s32 s10, $0x1;
	s10 =	sld [smem:$0x3FB8]  }
0x3d: {  	_ =	shalt  }
0x3e: {  	_ =	shalt  }
0x3f: {  	_ =	shalt  }
0x40: {  	_ =	shalt  }
0x41: {  	_ =	shalt  }
0x42: {  	_ =	shalt  }
0x43: {  	_ =	shalt  }
0x44: {  	_ =	shalt  }
0x45: {  	_ =	shalt  }
0x46: {  	_ =	shalt  }
0x47: {  	_ =	shalt  }
0x48: {  	_ =	shalt  }
0x49: {  	_ =	shalt  }
0x4a: {  	_ =	shalt  }
0x4b: {  	_ =	shalt  }
0x4c: {  	_ =	shalt  }
0x4d: {  	_ =	shalt  }
0x4e: {  	_ =	shalt  }
0x4f: {  	_ =	shalt  }
0x50: {  	_ =	shalt  }
0x51: {  	_ =	shalt  }
0x52: {  	_ =	shalt  }
0x53: {  	_ =	shalt  }
0x54: {  	_ =	shalt  }
0x55: {  	_ =	shalt  }
0x56: {  	_ =	shalt  }
0x57: {  	_ =	shalt  }
0x58: {  	_ =	shalt  }
0x59: {  	_ =	shalt  }
0x5a: {  	_ =	shalt  }
0x5b: {  	_ =	shalt  }
0x5c: {  	_ =	shalt  }
0x5d: {  	_ =	shalt  }
0x5e: {  	_ =	shalt  }
0x5f: {  	_ =	shalt  }
0x60: {  	_ =	shalt  }
0x61: {  	_ =	shalt  }
0x62: {  	_ =	shalt  }
0x63: {  	_ =	shalt  }
0x64: {  	_ =	shalt  }
0x65: {  	_ =	shalt  }
0x66: {  	_ =	shalt  }
0x67: {  	_ =	shalt  }
0x68: {  	_ =	shalt  }
0x69: {  	_ =	shalt  }
0x6a: {  	_ =	shalt  }
0x6b: {  	_ =	shalt  }
0x6c: {  	_ =	shalt  }
0x6d: {  	_ =	shalt  }
0x6e: {  	_ =	shalt  }
0x6f: {  	_ =	shalt  }
0x70: {  	_ =	shalt  }
0x71: {  	_ =	shalt  }
0x72: {  	_ =	shalt  }
0x73: {  	_ =	shalt  }
0x74: {  	_ =	shalt  }
0x75: {  	_ =	shalt  }
0x76: {  	_ =	shalt  }
0x77: {  	_ =	shalt  }
0x78: {  	_ =	shalt  }
0x79: {  	_ =	shalt  }
0x7a: {  	_ =	shalt  }
0x7b: {  	_ =	shalt  }
0x7c: {  	_ =	shalt  }
0x7d: {  	_ =	shalt  }
0x7e: {  	_ =	shalt  }
0x7f: {  	_ =	shalt  }
0x80: {  	_ =	shalt  }
0x81: {  	_ =	shalt  }
0x82: {  	_ =	shalt  }
0x83: {  	_ =	shalt  }
0x84: {  	_ =	shalt  }
0x85: {  	_ =	shalt  }
0x86: {  	_ =	shalt  }
0x87: {  	_ =	shalt  }
.Lfunc_end0:
.L_simem_size_0:
called_computation_lowered:
.L_overlay_start_0:
0x88: {  	s2 =	sld [smem:$0x3FD9]  }
0x89: {  	s3 =	sld [smem:$0x3FFE];
	_ =	sdelay $0x1  }
0x8a: {  	s1 =	srdreg.scid  }
0x8b: {  	s0 =	sand.u32 $0x1, s1  }
0x8c: {  	s16 =	sshll.u32 s0, $0xA;
	s2 =	sadd.s32 s3, s2  }
0x8d: {  	s2 =	sadd.s32 s2, s16  }
0x8e: {  	[smem:$0x3FC4] =	sst s2  }
0x8f: {  	_ = 	snop  }
0x90: {  	(tm) =	ssettm $0x1  }
0x91: {  	s17 =	sld [smem:$0x3FFB];
	_ =	sdelay $0x3  }
0x92: {  	_ =	strace s17  }
0x93: {  	s2 =	sld [smem:$0x3FFC];
	_ =	sdelay $0x3  }
0x94: {  	_ =	strace s2  }
0x95: {  	s2 =	sld [smem:$0x3FFD];
	_ =	sdelay $0x3  }
0x96: {  	_ =	strace s2  }
0x97: {  	_ =	strace $0x8FFFFFFF  }
0x98: {  	s18 =	sld [smem:$0x3FDB];
	_ =	sdelay $0x1  }
0x99: {  	s19 =	simm.s32 $_scs_section_size  }
0x9a: {  	s4 =	simm.s32 $_size__tile_overlayer_lowered;
	s5 =	simm.s32 $_tile_overlayer_lowered  }
0x9b: {  	s22 =	simm.s32 $0x1BFF;
	s21 =	sshll.u32 s5, $0x1;
	s2 =	sadd.s32 s19, s18  }
0x9c: {  	s6 =	simm.s32 $0x0;
	s20 =	sshll.u32 s4, $0x1;
	s4 =	sadd.s32 s21, s2  }
0x9d: {  	[timem:s6], [sflag:s22] =	dma.local [hbm:s4], s20  }
0x9e: {  	_ =	swait.ge [sflag:s22], s20  }
0x9f: {  	s3 =	ssub.s32 $0x0, s20;
	[sflag:s22] =	ssyncset.done $0x0  }
0xa0: {  	[sflag:s22] =	ssyncadd.s32 s3;
	_ =	sdelay $0x1  }
0xa1: {  	s23 =	simm.s32 $0x1B8B  }
0xa2: {  	_ =	swait.ge [sflag:s23], $0x1  }
0xa3: {  	[sflag:s23] =	ssyncset.done $0x0  }
0xa4: {  	s25 =	simm.s32 $0x1B8E;
	s24 =	sld [smem:$0x3FFE];
	[sflag:s23] =	ssyncadd.s32 $0xFFFFFFFF  }
0xa5: {  	s26 =	simm.s32 $execute0_lowered;
	[smem:$0x3FD2] =	sst s25  }
0xa6: {  	s4 =	sshll.u32 s26, $0x1;
	_ =	strace $0x80000046;
	[dreg:$0x1] =	wrdreg $0xFFFFFFFF  }
0xa7: {  	s28 =	simm.s32 $_size_execute0_lowered;
	s2 =	sadd.s32 s2, s4;
	[dreg:$0x0] =	wrdreg $0x0  }
0xa8: {  	s4 =	sshll.u32 s28, $0x1;
	[dreg:$0x2] =	wrdreg s2  }
0xa9: {  	[dreg:$0x3] =	wrdreg s4  }
0xaa: {  	[dreg:$0x4] =	wrdreg $0xC0  }
0xab: {  	_ =	task [dreg:s6], $0x5FFFF  }
0xac: {  	[dreg:$0x1] =	wrdreg $0xFFFFFFFF  }
0xad: {  	[dreg:$0x0] =	wrdreg $0x60  }
0xae: {  	[dreg:$0x2] =	wrdreg s24  }
0xaf: {  	[dreg:$0x3] =	wrdreg $0x8800  }
0xb0: {  	[dreg:$0x4] =	wrdreg $0x9  }
0xb1: {  	_ =	task.clear_ibuf [dreg:s6], $0x5FFFF;
	_ =	strace $0x90000046  }
0xb2: {  	s29 =	simm.s32 $0x9;
	_ =	strace $0x80000048  }
0xb3: {  	_ =	swait.ge [sflag:s29], $0x1  }
0xb4: {  	[sflag:s29] =	ssyncadd.s32 $0xFFFFFFFF  }
0xb5: {  	_ =	strace $0x90000048  }
0xb6: {  	_ =	sfence  }
0xb7: {  	s30 =	sld [smem:$0x0];
	_ =	sdelay $0x2  }
0xb8: {  	s31 =	sshll.u32 s1, $0xD;
	s1 =	sshrl.u32 s1, $0x2  }
0xb9: {  	s3 =	sand.u32 $0x4000, s31;
	s1 =	sadd.s32 s1, s30  }
0xba: {  	s0 =	sor.u32 s3, s0;
	s1 =	sshll.u32 s1, $0x11  }
0xbb: {  	s0 =	sor.u32 s1, s0  }
0xbc: {  	s0 =	sadd.s32 $0x8F2B, s0  }
0xbd: {  	[sflag:s0] =	ssyncadd.remote.s32 $0x1  }
0xbe: {  	_ =	sfence.sel $0xFFFF  }
0xbf: {  	[dreg:$0x0] =	wrdreg $0xFFFFFFFF;
	(pc) =	sbr.abs _section_cstart, $3  }
0xc0: {  	[dreg:$0x1] =	wrdreg $0xFFFFFFFF  }
0xc1: {  	_ =	task.clear_ibuf [dreg:s6], $0x2FFFF;
	_ =	strace $0x9FFFFFFF  }
0xc2: {  	(tm) =	ssettm $0x7FFFFFFF  }
0xc3: {  	_ =	shalt  }
tec
execute0_lowered:
.L_overlay_start_1:
0x0: {  	(tag) =	ssettag $0x1  }
0x1: {  	s5 =	rddreg [dreg:$0x0]  }
0x2: {  	s2 =	rddreg [dreg:$0x1];
	s1 =	stileid.u32  }
0x3: {  	s0 =	rddreg [dreg:$0x2];
	s4 =	smul.u32 $0x9E0, s1  }
0x4: {  	s6 =	srdreg.scid;
	s3 =	simm.s32 $0x0;
	s7 =	smul.u32 $0x13C00, s1  }
0x5: {  	s14 =	simm.s32 $0x0;
	s6 =	sand.u32 $0x1, s6;
	s12 =	smul.u32 $0x4F000, s1  }
0x6: {  	[smem:$0x7FF] =	sst s3;
	s30 =	sshll.u32 s1, $0x6;
	s8 =	smul.u32 $0x13C000, s6  }
0x7: {  	_ =	strace $0x80000047;
	s28 =	ssub.s32 $0x2, s6;
	s31 =	smul.u32 $0x4F0, s6  }
0x8: {  	s6 =	sor.u32 $0x1C02, s30;
	s9 =	sadd.s32 s4, s5;
	s25 =	sshrl.u32 s7, $0x3  }
0x9: {  	s11 =	sshrl.u32 s28, $0x1;
	s4 =	sadd.s32 $0xC400, s5;
	s29 =	sshrl.u32 s12, $0x2  }
0xa: {  	s12 =	simm.s32 $0x80;
	s10 =	sadd.s32 s25, s5;
	s26 =	sadd.s32 s7, s8  }
0xb: {  	s11 =	ssub.s32 s28, s11;
	s9 =	sadd.s32 s31, s9;
	s8 =	sshrl.u32 s26, $0x3  }
0xc: {  	s13 =	sadd.s32 s29, s2;
	s9 =	sadd.s32 $0x2600, s9;
	s8 =	sadd.s32 s8, s5  }
0xd: {  	s5 =	sadd.s32 $0xC600, s10;
	s10 =	sshrl.u32 s13, $0x3;
	s13 =	simm.s32 $0x1  }
0xe: {  	vm0 =	vmmov $0xffff;
	s7 =	sadd.s32 $0x33E00, s8;
	s8 =	smax.u32 s11, $0x1;
	s11 =	simm.s32 $0x2  }
.LBB2_1:
0xf: {  	[spmem:s10], [sflag:s6] =	dma.local [hbm:s5], $0x2780  }
0x10: {  	_ =	swait.ge [sflag:s11], $0x2780  }
0x11: {  	[sflag:s11] =	ssyncset.done $0x0  }
0x12: {  	[sflag:s11] =	ssyncadd.s32 $0xFFFFD880  }
0x13: {  	[tilespmem:s12], [sflag:$0x1] =	stream.linear.gather [hbm4b:s4+s3], $0x800, $0x38;
	[tilespmem:$0x14480] =	vst v63  }
0x14: {  	_ =	swait.ge [sflag:s13], $0x800  }
0x15: {  	[sflag:s13] =	ssyncset.done $0x0  }
0x16: {  	[sflag:s13] =	ssyncadd.s32 $0xFFFFF800  }
0x17: {  	s15 =	simm.s32 $0x0;
	[bflag:$0x0] =	sbarrier.arrive $0xFFFF  }
.LBB2_2:
0x18: {  	s16 =	sadd.s32 s15, s9  }
0x19: {  	[tilespmem:s3], [sflag:$0x2] =	stream.linear.gather [hbm4b:s16+s3], $0x80, $0x38;
	[tilespmem:$0x14480] =	vst v63  }
0x1a: {  	_ =	swait.ge [sflag:s11], $0x80  }
0x1b: {  	[sflag:s11] =	ssyncset.done $0x0  }
0x1c: {  	[sflag:s11] =	ssyncadd.s32 $0xFFFFFF80  }
0x1d: {  	v0 =	vld [tilespmem:$0x0];
	_ =	sdelay $0x7  }
0x1e: {  	[spmem:s2] =	stream.indirect_vreg.scatter.add.f32 [tilespmem:s12], [sflag:$0x2], $0x80, v0, vm0, $0xb8;
	[tilespmem:$0x14480] =	vst v63  }
0x1f: {  	_ =	swait.ge [sflag:s11], $0x800  }
0x20: {  	[sflag:s11] =	ssyncset.done $0x0  }
0x21: {  	[sflag:s11] =	ssyncadd.s32 $0xFFFFF800  }
0x22: {  	v57 =	vld [tilespmem:$0x10];
	_ =	sdelay $0x7  }
0x23: {  	[spmem:s2] =	stream.indirect_vreg.scatter.add.f32 [tilespmem:s12], [sflag:$0x2], $0x80, v57, vm0, $0xb8;
	[tilespmem:$0x14480] =	vst v63  }
0x24: {  	_ =	swait.ge [sflag:s11], $0x800  }
0x25: {  	[sflag:s11] =	ssyncset.done $0x0  }
0x26: {  	[sflag:s11] =	ssyncadd.s32 $0xFFFFF800  }
0x27: {  	v58 =	vld [tilespmem:$0x20];
	_ =	sdelay $0x7  }
0x28: {  	[spmem:s2] =	stream.indirect_vreg.scatter.add.f32 [tilespmem:s12], [sflag:$0x2], $0x80, v58, vm0, $0xb8;
	[tilespmem:$0x14480] =	vst v63  }
0x29: {  	_ =	swait.ge [sflag:s11], $0x800  }
0x2a: {  	[sflag:s11] =	ssyncset.done $0x0  }
0x2b: {  	[sflag:s11] =	ssyncadd.s32 $0xFFFFF800  }
0x2c: {  	v59 =	vld [tilespmem:$0x30];
	_ =	sdelay $0x7  }
0x2d: {  	[spmem:s2] =	stream.indirect_vreg.scatter.add.f32 [tilespmem:s12], [sflag:$0x2], $0x80, v59, vm0, $0xb8;
	[tilespmem:$0x14480] =	vst v63  }
0x2e: {  	_ =	swait.ge [sflag:s11], $0x800  }
0x2f: {  	[sflag:s11] =	ssyncset.done $0x0  }
0x30: {  	[sflag:s11] =	ssyncadd.s32 $0xFFFFF800  }
0x31: {  	v60 =	vld [tilespmem:$0x40];
	_ =	sdelay $0x7  }
0x32: {  	[spmem:s2] =	stream.indirect_vreg.scatter.add.f32 [tilespmem:s12], [sflag:$0x2], $0x80, v60, vm0, $0xb8;
	[tilespmem:$0x14480] =	vst v63  }
0x33: {  	_ =	swait.ge [sflag:s11], $0x800  }
0x34: {  	[sflag:s11] =	ssyncset.done $0x0  }
0x35: {  	[sflag:s11] =	ssyncadd.s32 $0xFFFFF800  }
0x36: {  	v61 =	vld [tilespmem:$0x50];
	_ =	sdelay $0x7  }
0x37: {  	[spmem:s2] =	stream.indirect_vreg.scatter.add.f32 [tilespmem:s12], [sflag:$0x2], $0x80, v61, vm0, $0xb8;
	[tilespmem:$0x14480] =	vst v63  }
0x38: {  	_ =	swait.ge [sflag:s11], $0x800  }
0x39: {  	[sflag:s11] =	ssyncset.done $0x0  }
0x3a: {  	[sflag:s11] =	ssyncadd.s32 $0xFFFFF800  }
0x3b: {  	v62 =	vld [tilespmem:$0x60];
	_ =	sdelay $0x7  }
0x3c: {  	[spmem:s2] =	stream.indirect_vreg.scatter.add.f32 [tilespmem:s12], [sflag:$0x2], $0x80, v62, vm0, $0xb8;
	[tilespmem:$0x14480] =	vst v63  }
0x3d: {  	_ =	swait.ge [sflag:s11], $0x800  }
0x3e: {  	[sflag:s11] =	ssyncset.done $0x0  }
0x3f: {  	[sflag:s11] =	ssyncadd.s32 $0xFFFFF800  }
0x40: {  	v63 =	vld [tilespmem:$0x70];
	_ =	sdelay $0x5  }
0x41: {  	p0 =	sne.s32 s15, $0x4E0  }
.Ltmp0:
0x42: {  	_ = 	snop;
	(pc) =	sbr.rel @p0 .LBB2_2-.Ltmp0, $4  }
0x43: {  	[spmem:s2] =	stream.indirect_vreg.scatter.add.f32 [tilespmem:s12], [sflag:$0x2], $0x80, v63, vm0, $0xb8;
	[tilespmem:$0x14480] =	vst v63  }
0x44: {  	_ =	swait.ge [sflag:s11], $0x800  }
0x45: {  	[sflag:s11] =	ssyncset.done $0x0  }
0x46: {  	s15 =	sadd.s32 $0x10, s15;
	[sflag:s11] =	ssyncadd.s32 $0xFFFFF800  }
0x47: {  	s14 =	sadd.s32 $0x1, s14  }
0x48: {  	p0 =	sne.s32 s14, s8  }
.Ltmp1:
0x49: {  	[bflag:$0x0] =	sbarrier.arrive $0xFFFF;
	(pc) =	sbr.rel @p0 .LBB2_1-.Ltmp1, $4  }
0x4a: {  	[hbm:s7], [sflag:s6] =	dma.local [spmem:s10], $0x2780  }
0x4b: {  	_ =	swait.ge [sflag:s11], $0x2780  }
0x4c: {  	[sflag:s11] =	ssyncset.done $0x0  }
0x4d: {  	[sflag:s11] =	ssyncadd.s32 $0xFFFFD880  }
0x4e: {  	_ =	sfence.sel $0x180000  }
0x4f: {  	[bflag:$0x0] =	sbarrier.arrive $0xFFFF  }
0x50: {  	p0 =	sne.s32 s1, $0x0;
	_ =	strace $0x90000047  }
0x51: {  	s0 =	sadd.s32 @!p0 $0x100000, s0;
	[bflag:$0x2] =	sbarrier.arrive $0xFFFF  }
0x52: {  	[sflag:s0] =	ssyncadd.tile.s32 @!p0 $0x1;
	_ =	shalt  }
.Lfunc_end2:
_tile_overlayer_lowered:
.L_overlay_start_2:
0x53: {  	(tag) =	ssettag $0x2  }
0x54: {  	s0 =	rddreg [dreg:$0x0];
	s2 =	stileid.u32  }
0x55: {  	s1 =	rddreg [dreg:$0x1];
	p0 =	sne.s32 s2, $0x0  }
0x56: {  	s3 =	rddreg [dreg:$0x2];
	[bflag:$0x3] =	sbarrier.arrive $0xFFFF;
	s2 =	simm.s32 @!p0 $0x1C02  }
0x57: {  	[timem:s3], [sflag:s2] =	dma.local @!p0 [hbm:s0], s1  }
0x58: {  	s0 =	simm.s32 @!p0 $0x2  }
0x59: {  	_ =	swait.ge @!p0 [sflag:s0], s1  }
0x5a: {  	s1 =	ssub.s32 @!p0 $0x0, s1;
	[sflag:s0] =	ssyncset.done @!p0 $0x0  }
0x5b: {  	[sflag:s0] =	ssyncadd.s32 @!p0 s1  }
0x5c: {  	[bflag:$0x3] =	sbarrier.arrive $0xFFFF  }
0x5d: {  	_ =	shalt  }

</sc_bundles>
